<compile_context>
chip_gen: v7x
topology: tpu7x:2x2x1
jax: 0.10.2.dev20260603
libtpu: 0.0.44.dev20260713+nightly
codegen_flags: <defaults>
</compile_context>

<pallas_src>
import functools

import jax
import jax.numpy as jnp
from jax import lax
from jax.experimental import pallas as pl
from jax.experimental.pallas import tpu as pltpu
from jax.experimental.pallas import tpu_sc as plsc

_CHUNK = 128
_NBUF = 3
_IBUF = 4


def _sc_scatter(x, srcdst, zeros, e):
    n, d = x.shape
    info = plsc.get_sparse_core_info()
    nc, ns = info.num_cores, info.num_subcores
    nw = nc * ns
    n_chunks = e // _CHUNK
    rows_per_tile = (n // ns) // 8 * 8
    tail_base = ns * rows_per_tile
    tail_rows = n - tail_base

    mesh = plsc.VectorSubcoreMesh(core_axis_name="c", subcore_axis_name="s")

    @functools.partial(
        pl.kernel,
        out_type=jax.ShapeDtypeStruct((nc, n, d), jnp.float32),
        mesh=mesh,
        scratch_types=[
            pltpu.VMEM((_IBUF, _CHUNK), jnp.int32),
            pltpu.VMEM((_IBUF, _CHUNK), jnp.int32),
            pltpu.VMEM((_NBUF, _CHUNK, d), jnp.float32),
            pltpu.VMEM_SHARED((n, d), jnp.float32),
            pltpu.SemaphoreType.DMA,
            pltpu.SemaphoreType.DMA,
            pltpu.SemaphoreType.DMA,
        ],
    )
    def sc_kernel(x_hbm, srcdst_hbm, zero_hbm, out_hbm,
                  src_v, dst_v, rows_v, acc_sh, isem, gsem, ssem):
        cid = lax.axis_index("c")
        sid = lax.axis_index("s")
        wid = sid * nc + cid

        n_mine = (n_chunks - wid + nw - 1) // nw

        def ebase(j):
            return (wid + j * nw) * _CHUNK

        def issue_idx(j):
            slot = j % _IBUF
            pltpu.async_copy(srcdst_hbm.at[pl.ds(ebase(j), _CHUNK)],
                             src_v.at[slot], isem)
            pltpu.async_copy(srcdst_hbm.at[pl.ds(e + ebase(j), _CHUNK)],
                             dst_v.at[slot], isem)

        def wait_idx(j):
            slot = j % _IBUF
            pltpu.make_async_copy(srcdst_hbm.at[pl.ds(ebase(j), _CHUNK)],
                                  src_v.at[slot], isem).wait()
            pltpu.make_async_copy(srcdst_hbm.at[pl.ds(e + ebase(j), _CHUNK)],
                                  dst_v.at[slot], isem).wait()

        def issue_gather(j):
            pltpu.async_copy(x_hbm.at[src_v.at[j % _IBUF]],
                             rows_v.at[j % _NBUF], gsem)

        def wait_gather(j):
            pltpu.make_async_copy(x_hbm.at[src_v.at[j % _IBUF]],
                                  rows_v.at[j % _NBUF], gsem).wait()

        def issue_scatter(j):
            pltpu.async_copy(rows_v.at[j % _NBUF],
                             acc_sh.at[dst_v.at[j % _IBUF]], ssem, add=True)

        def wait_scatter(j):
            pltpu.make_async_copy(rows_v.at[j % _NBUF],
                                  acc_sh.at[dst_v.at[j % _IBUF]], ssem).wait()

        @pl.when(n_mine > 0)
        def _():
            issue_idx(0)
            wait_idx(0)
            issue_gather(0)

            @pl.when(n_mine > 1)
            def _():
                issue_idx(1)
                wait_idx(1)
                issue_gather(1)

            @pl.when(n_mine > 2)
            def _():
                issue_idx(2)

        pltpu.sync_copy(zero_hbm.at[pl.ds(0, rows_per_tile)],
                        acc_sh.at[pl.ds(sid * rows_per_tile, rows_per_tile)])

        @pl.when(sid == ns - 1)
        def _():
            pltpu.sync_copy(zero_hbm.at[pl.ds(0, tail_rows)],
                            acc_sh.at[pl.ds(tail_base, tail_rows)])

        plsc.subcore_barrier()

        @pl.when(n_mine > 0)
        def _():
            def body(j, carry):
                @pl.when(j >= 1)
                def _():
                    wait_scatter(j - 1)

                @pl.when(j + 2 < n_mine)
                def _():
                    wait_idx(j + 2)
                    issue_gather(j + 2)

                wait_gather(j)
                issue_scatter(j)

                @pl.when(j + 3 < n_mine)
                def _():
                    issue_idx(j + 3)

                return carry

            lax.fori_loop(0, n_mine, body, 0)
            wait_scatter(n_mine - 1)

        plsc.subcore_barrier()
        pltpu.sync_copy(
            acc_sh.at[pl.ds(sid * rows_per_tile, rows_per_tile)],
            out_hbm.at[cid].at[pl.ds(sid * rows_per_tile, rows_per_tile)],
        )

        @pl.when(sid == ns - 1)
        def _():
            pltpu.sync_copy(
                acc_sh.at[pl.ds(tail_base, tail_rows)],
                out_hbm.at[cid].at[pl.ds(tail_base, tail_rows)],
            )

    return sc_kernel(x, srcdst, zeros)


def _tc_body(x_ref, p_ref, w0_ref, w1_ref, o_ref):
    h0 = jnp.dot(x_ref[...], w0_ref[...], preferred_element_type=jnp.float32)
    agg = p_ref[0] + p_ref[1]
    h1 = jnp.dot(agg, w1_ref[...], preferred_element_type=jnp.float32)
    o_ref[...] = jnp.maximum(h0 + h1, 0.0)


def _tc_combine(x, partials, w0, w1):
    n, d = x.shape
    d_out = w0.shape[1]
    bm = 5000
    return pl.pallas_call(
        _tc_body,
        grid=(n // bm,),
        in_specs=[
            pl.BlockSpec((bm, d), lambda i: (i, 0)),
            pl.BlockSpec((2, bm, d), lambda i: (0, i, 0)),
            pl.BlockSpec((d, d_out), lambda i: (0, 0)),
            pl.BlockSpec((d, d_out), lambda i: (0, 0)),
        ],
        out_specs=pl.BlockSpec((bm, d_out), lambda i: (i, 0)),
        out_shape=jax.ShapeDtypeStruct((n, d_out), jnp.float32),
    )(x, partials, w0, w1)


def kernel(vertex_features, vertex_adjacency, w0, w1):
    x = vertex_features
    n, d = x.shape
    e = vertex_adjacency.shape[1]
    srcdst = vertex_adjacency.reshape(2 * e)
    zeros = jnp.zeros((n // 16 // 8 * 8, d), jnp.float32)
    partials = _sc_scatter(x, srcdst, zeros, e)
    return _tc_combine(x, partials, w0, w1)

# --- scband reference (transcript-rebuilt; emitter-appended) ---
"""Pipeline reference for scband-graph-conv-2259152797811 (READ-ONLY COPY).

The authoritative reference and input builder live on the scoring server;
editing this copy changes nothing except your own understanding.
"""

import jax, jax.numpy as jnp
import numpy as np

N = 10000
E = 320000
D_IN = 128
D_OUT = 128


def setup_inputs(seed: int = 0) -> dict:
    key = jax.random.key(seed)
    k1, k2, k3, k4 = jax.random.split(key, 4)
    vertex_features = jax.random.normal(k1, (N, D_IN), dtype=jnp.float32)
    vertex_adjacency = jax.random.randint(k2, (2, E), 0, N, dtype=jnp.int32)
    bound = 1.0 / np.sqrt(D_IN)
    w0 = jax.random.uniform(k3, (D_IN, D_OUT), minval=-bound, maxval=bound, dtype=jnp.float32)
    w1 = jax.random.uniform(k4, (D_IN, D_OUT), minval=-bound, maxval=bound, dtype=jnp.float32)
    return {
        "vertex_features": vertex_features,
        "vertex_adjacency": vertex_adjacency,
        "w0": w0,
        "w1": w1,
    }


def reference(vertex_features, vertex_adjacency, w0, w1):
    # f'_i = ReLU(W0 x f_i + sum_{j in N(i)} W1 x f_j)
    w0_features = jnp.matmul(vertex_features, w0)
    w1_features = jnp.matmul(vertex_features, w1)
    src = vertex_adjacency[0]
    dst = vertex_adjacency[1]
    # aggregate_neighbours: scatter-add of source-node projected features into dst nodes
    neighbours = jnp.zeros_like(w0_features).at[dst].add(jnp.take(w1_features, src, axis=0))
    new_features = w0_features + neighbours
    return jax.nn.relu(new_features)

if __name__ == "__main__":
    import jax
    _d = setup_inputs()
    print(jax.jit(kernel)(*tuple(_d.values())))

</pallas_src>

<mosaic_0001>
#map = affine_map<(d0, d1) -> (0, 0)>
#map1 = affine_map<(d0, d1) -> (0)>
#map2 = affine_map<(d0, d1) -> (0, 0, 0)>
module attributes {stable_mosaic.version = 14 : i64} {
  func.func @sc_kernel(%arg0: i32, %arg1: i32, %arg2: memref<10000x128xf32, #tpu.memory_space<hbm>>, %arg3: memref<640000xi32, #tpu.memory_space<hbm>>, %arg4: memref<624x128xf32, #tpu.memory_space<hbm>>, %arg5: memref<2x10000x128xf32, #tpu.memory_space<hbm>>, %arg6: memref<4x128xi32, #tpu.memory_space<vmem>>, %arg7: memref<4x128xi32, #tpu.memory_space<vmem>>, %arg8: memref<3x128x128xf32, #tpu.memory_space<vmem>>, %arg9: memref<10000x128xf32, #tpu.memory_space<vmem_shared>>, %arg10: memref<!tpu.dma_semaphore, #tpu.memory_space<semaphore_mem>>, %arg11: memref<!tpu.dma_semaphore, #tpu.memory_space<semaphore_mem>>, %arg12: memref<!tpu.dma_semaphore, #tpu.memory_space<semaphore_mem>>) attributes {dimension_semantics = [#tpu.dimension_semantics<core_parallel>, #tpu.dimension_semantics<subcore_parallel>], iteration_bounds = array<i64: 2, 16>, scalar_prefetch = 0 : i64, scratch_operands = 7 : i64, tpu.core_type = #tpu.core_type<sc_vector_subcore>, window_params = [{transform_indices = #map}, {transform_indices = #map1}, {transform_indices = #map}, {transform_indices = #map2}]} {
    %mul3A = arith.constant 2 : i32
    %mul3A_0 = arith.muli %arg1, %mul3A : i32
    %add3A = arith.addi %mul3A_0, %arg0 : i32
    %sub3A = arith.constant 2500 : i32
    %sub3A_1 = arith.subi %sub3A, %add3A : i32
    %add3A_2 = arith.constant 32 : i32
    %add3A_3 = arith.addi %sub3A_1, %add3A_2 : i32
    %sub3A_4 = arith.constant 1 : i32
    %sub3A_5 = arith.subi %add3A_3, %sub3A_4 : i32
    %jit3A = arith.constant 32 : i32
    %div3A = arith.divsi %sub3A_5, %jit3A : i32
    %sign3A = arith.constant 0 : i32
    %sign3A_6 = arith.cmpi sgt, %sub3A_5, %sign3A : i32
    %sign3A_7 = arith.extui %sign3A_6 : i1 to i32
    %sign3A_8 = arith.constant 0 : i32
    %sign3A_9 = arith.cmpi slt, %sub3A_5, %sign3A_8 : i32
    %sign3A_10 = arith.extui %sign3A_9 : i1 to i32
    %sign3A_11 = arith.subi %sign3A_7, %sign3A_10 : i32
    %sign3A_12 = arith.constant 0 : i32
    %sign3A_13 = arith.cmpi sgt, %jit3A, %sign3A_12 : i32
    %sign3A_14 = arith.extui %sign3A_13 : i1 to i32
    %sign3A_15 = arith.constant 0 : i32
    %sign3A_16 = arith.cmpi slt, %jit3A, %sign3A_15 : i32
    %sign3A_17 = arith.extui %sign3A_16 : i1 to i32
    %sign3A_18 = arith.subi %sign3A_14, %sign3A_17 : i32
    %ne3A = arith.cmpi ne, %sign3A_11, %sign3A_18 : i32
    %rem3A = arith.remsi %sub3A_5, %jit3A : i32
    %ne3A_19 = arith.constant 0 : i32
    %ne3A_20 = arith.cmpi ne, %rem3A, %ne3A_19 : i32
    %and3A = arith.andi %ne3A, %ne3A_20 : i1
    %sub3A_21 = arith.constant 1 : i32
    %sub3A_22 = arith.subi %div3A, %sub3A_21 : i32
    %select_n3A = arith.select %and3A, %sub3A_22, %div3A : i32
    %gt3A = arith.constant 0 : i32
    %gt3A_23 = arith.cmpi sgt, %select_n3A, %gt3A : i32
    %convert_element_type3A = arith.extui %gt3A_23 : i1 to i32
    %cond3A = arith.constant 0 : i32
    %cond3A_24 = arith.cmpi ne, %convert_element_type3A, %cond3A : i32
    scf.if %cond3A_24 {
      %add3A_46 = arith.constant 0 : i32
      %add3A_47 = arith.addi %add3A, %add3A_46 : i32
      %mul3A_48 = arith.constant 128 : i32
      %mul3A_49 = arith.muli %add3A_47, %mul3A_48 : i32
      %dma_start3A = arith.constant 0 : i32
      %dma_start3A_50 = arith.constant 0 : i32
      %dma_start3A_51 = tpu.memref_slice %arg6[%dma_start3A, %dma_start3A_50] : memref<4x128xi32, #tpu.memory_space<vmem>> -> memref<1x128xi32, #tpu.memory_space<vmem>>
      %dma_start3A_52 = tpu.memref_squeeze %dma_start3A_51 : memref<1x128xi32, #tpu.memory_space<vmem>> -> memref<128xi32, #tpu.memory_space<vmem>>
      %dma_start3A_53 = tpu.memref_slice %arg3[%mul3A_49] : memref<640000xi32, #tpu.memory_space<hbm>> -> memref<128xi32, #tpu.memory_space<hbm>>
      %dma_start3A_54 = arith.constant 0 : i32
      %dma_start3A_55 = tpu.memref_slice %arg6[%dma_start3A, %dma_start3A_54] : memref<4x128xi32, #tpu.memory_space<vmem>> -> memref<1x128xi32, #tpu.memory_space<vmem>>
      %dma_start3A_56 = tpu.memref_squeeze %dma_start3A_55 : memref<1x128xi32, #tpu.memory_space<vmem>> -> memref<128xi32, #tpu.memory_space<vmem>>
      %dma_start3A_57 = tpu.memref_slice %arg3[%mul3A_49] : memref<640000xi32, #tpu.memory_space<hbm>> -> memref<128xi32, #tpu.memory_space<hbm>>
      tpu.enqueue_dma source(%dma_start3A_57 : memref<128xi32, #tpu.memory_space<hbm>>) target(%dma_start3A_56 : memref<128xi32, #tpu.memory_space<vmem>>) target_semaphore(%arg10 : memref<!tpu.dma_semaphore, #tpu.memory_space<semaphore_mem>>)
      %add3A_58 = arith.constant 0 : i32
      %add3A_59 = arith.addi %add3A, %add3A_58 : i32
      %mul3A_60 = arith.constant 128 : i32
      %mul3A_61 = arith.muli %add3A_59, %mul3A_60 : i32
      %add3A_62 = arith.constant 320000 : i32
      %add3A_63 = arith.addi %add3A_62, %mul3A_61 : i32
      %dma_start3A_64 = arith.constant 0 : i32
      %dma_start3A_65 = arith.constant 0 : i32
      %dma_start3A_66 = tpu.memref_slice %arg7[%dma_start3A_64, %dma_start3A_65] : memref<4x128xi32, #tpu.memory_space<vmem>> -> memref<1x128xi32, #tpu.memory_space<vmem>>
      %dma_start3A_67 = tpu.memref_squeeze %dma_start3A_66 : memref<1x128xi32, #tpu.memory_space<vmem>> -> memref<128xi32, #tpu.memory_space<vmem>>
      %dma_start3A_68 = tpu.memref_slice %arg3[%add3A_63] : memref<640000xi32, #tpu.memory_space<hbm>> -> memref<128xi32, #tpu.memory_space<hbm>>
      %dma_start3A_69 = arith.constant 0 : i32
      %dma_start3A_70 = tpu.memref_slice %arg7[%dma_start3A_64, %dma_start3A_69] : memref<4x128xi32, #tpu.memory_space<vmem>> -> memref<1x128xi32, #tpu.memory_space<vmem>>
      %dma_start3A_71 = tpu.memref_squeeze %dma_start3A_70 : memref<1x128xi32, #tpu.memory_space<vmem>> -> memref<128xi32, #tpu.memory_space<vmem>>
      %dma_start3A_72 = tpu.memref_slice %arg3[%add3A_63] : memref<640000xi32, #tpu.memory_space<hbm>> -> memref<128xi32, #tpu.memory_space<hbm>>
      tpu.enqueue_dma source(%dma_start3A_72 : memref<128xi32, #tpu.memory_space<hbm>>) target(%dma_start3A_71 : memref<128xi32, #tpu.memory_space<vmem>>) target_semaphore(%arg10 : memref<!tpu.dma_semaphore, #tpu.memory_space<semaphore_mem>>)
      %add3A_73 = arith.constant 0 : i32
      %add3A_74 = arith.addi %add3A, %add3A_73 : i32
      %mul3A_75 = arith.constant 128 : i32
      %mul3A_76 = arith.muli %add3A_74, %mul3A_75 : i32
      %dma_wait3A = arith.constant 0 : i32
      %dma_wait3A_77 = arith.constant 0 : i32
      %dma_wait3A_78 = tpu.memref_slice %arg6[%dma_wait3A, %dma_wait3A_77] : memref<4x128xi32, #tpu.memory_space<vmem>> -> memref<1x128xi32, #tpu.memory_space<vmem>>
      %dma_wait3A_79 = tpu.memref_squeeze %dma_wait3A_78 : memref<1x128xi32, #tpu.memory_space<vmem>> -> memref<128xi32, #tpu.memory_space<vmem>>
      %dma_wait3A_80 = tpu.memref_slice %arg3[%mul3A_76] : memref<640000xi32, #tpu.memory_space<hbm>> -> memref<128xi32, #tpu.memory_space<hbm>>
      %dma_wait3A_81 = arith.constant 0 : i32
      %dma_wait3A_82 = tpu.memref_slice %arg6[%dma_wait3A, %dma_wait3A_81] : memref<4x128xi32, #tpu.memory_space<vmem>> -> memref<1x128xi32, #tpu.memory_space<vmem>>
      %dma_wait3A_83 = tpu.memref_squeeze %dma_wait3A_82 : memref<1x128xi32, #tpu.memory_space<vmem>> -> memref<128xi32, #tpu.memory_space<vmem>>
      %dma_wait3A_84 = tpu.memref_slice %arg3[%mul3A_76] : memref<640000xi32, #tpu.memory_space<hbm>> -> memref<128xi32, #tpu.memory_space<hbm>>
      tpu.wait_dma2 semaphore(%arg10 : memref<!tpu.dma_semaphore, #tpu.memory_space<semaphore_mem>>) src(%dma_wait3A_84 : memref<128xi32, #tpu.memory_space<hbm>>) dst(%dma_wait3A_83 : memref<128xi32, #tpu.memory_space<vmem>>)
      %add3A_85 = arith.constant 0 : i32
      %add3A_86 = arith.addi %add3A, %add3A_85 : i32
      %mul3A_87 = arith.constant 128 : i32
      %mul3A_88 = arith.muli %add3A_86, %mul3A_87 : i32
      %add3A_89 = arith.constant 320000 : i32
      %add3A_90 = arith.addi %add3A_89, %mul3A_88 : i32
      %dma_wait3A_91 = arith.constant 0 : i32
      %dma_wait3A_92 = arith.constant 0 : i32
      %dma_wait3A_93 = tpu.memref_slice %arg7[%dma_wait3A_91, %dma_wait3A_92] : memref<4x128xi32, #tpu.memory_space<vmem>> -> memref<1x128xi32, #tpu.memory_space<vmem>>
      %dma_wait3A_94 = tpu.memref_squeeze %dma_wait3A_93 : memref<1x128xi32, #tpu.memory_space<vmem>> -> memref<128xi32, #tpu.memory_space<vmem>>
      %dma_wait3A_95 = tpu.memref_slice %arg3[%add3A_90] : memref<640000xi32, #tpu.memory_space<hbm>> -> memref<128xi32, #tpu.memory_space<hbm>>
      %dma_wait3A_96 = arith.constant 0 : i32
      %dma_wait3A_97 = tpu.memref_slice %arg7[%dma_wait3A_91, %dma_wait3A_96] : memref<4x128xi32, #tpu.memory_space<vmem>> -> memref<1x128xi32, #tpu.memory_space<vmem>>
      %dma_wait3A_98 = tpu.memref_squeeze %dma_wait3A_97 : memref<1x128xi32, #tpu.memory_space<vmem>> -> memref<128xi32, #tpu.memory_space<vmem>>
      %dma_wait3A_99 = tpu.memref_slice %arg3[%add3A_90] : memref<640000xi32, #tpu.memory_space<hbm>> -> memref<128xi32, #tpu.memory_space<hbm>>
      tpu.wait_dma2 semaphore(%arg10 : memref<!tpu.dma_semaphore, #tpu.memory_space<semaphore_mem>>) src(%dma_wait3A_99 : memref<128xi32, #tpu.memory_space<hbm>>) dst(%dma_wait3A_98 : memref<128xi32, #tpu.memory_space<vmem>>)
      %dma_start3A_100 = arith.constant 0 : i32
      %dma_start3A_101 = arith.constant 0 : i32
      %dma_start3A_102 = arith.constant 0 : i32
      %dma_start3A_103 = arith.constant 0 : i32
      %dma_start3A_104 = tpu.memref_slice %arg8[%dma_start3A_101, %dma_start3A_102, %dma_start3A_103] : memref<3x128x128xf32, #tpu.memory_space<vmem>> -> memref<1x128x128xf32, #tpu.memory_space<vmem>>
      %dma_start3A_105 = tpu.memref_squeeze %dma_start3A_104 : memref<1x128x128xf32, #tpu.memory_space<vmem>> -> memref<128x128xf32, #tpu.memory_space<vmem>>
      %dma_start3A_106 = arith.constant 0 : i32
      %dma_start3A_107 = tpu.memref_slice %arg6[%dma_start3A_100, %dma_start3A_106] : memref<4x128xi32, #tpu.memory_space<vmem>> -> memref<1x128xi32, #tpu.memory_space<vmem>>
      %dma_start3A_108 = tpu.memref_squeeze %dma_start3A_107 : memref<1x128xi32, #tpu.memory_space<vmem>> -> memref<128xi32, #tpu.memory_space<vmem>>
      %dma_start3A_109 = arith.constant 0 : i32
      %dma_start3A_110 = arith.constant 0 : i32
      %dma_start3A_111 = tpu.memref_slice %arg2[%dma_start3A_109, %dma_start3A_110] : memref<10000x128xf32, #tpu.memory_space<hbm>> -> memref<10000x128xf32, #tpu.memory_space<hbm>>
      tpu.enqueue_indirect_dma source(%dma_start3A_111 : memref<10000x128xf32, #tpu.memory_space<hbm>>) target(%dma_start3A_105 : memref<128x128xf32, #tpu.memory_space<vmem>>) offsets(%dma_start3A_108 : memref<128xi32, #tpu.memory_space<vmem>>) semaphore(%arg11 : memref<!tpu.dma_semaphore, #tpu.memory_space<semaphore_mem>>)
      %gt3A_112 = arith.constant 1 : i32
      %gt3A_113 = arith.cmpi sgt, %select_n3A, %gt3A_112 : i32
      %convert_element_type3A_114 = arith.extui %gt3A_113 : i1 to i32
      %cond3A_115 = arith.constant 0 : i32
      %cond3A_116 = arith.cmpi ne, %convert_element_type3A_114, %cond3A_115 : i32
      scf.if %cond3A_116 {
        %add3A_122 = arith.constant 32 : i32
        %add3A_123 = arith.addi %add3A, %add3A_122 : i32
        %mul3A_124 = arith.constant 128 : i32
        %mul3A_125 = arith.muli %add3A_123, %mul3A_124 : i32
        %dma_start3A_126 = arith.constant 1 : i32
        %dma_start3A_127 = arith.constant 0 : i32
        %dma_start3A_128 = tpu.memref_slice %arg6[%dma_start3A_126, %dma_start3A_127] : memref<4x128xi32, #tpu.memory_space<vmem>> -> memref<1x128xi32, #tpu.memory_space<vmem>>
        %dma_start3A_129 = tpu.memref_squeeze %dma_start3A_128 : memref<1x128xi32, #tpu.memory_space<vmem>> -> memref<128xi32, #tpu.memory_space<vmem>>
        %dma_start3A_130 = tpu.memref_slice %arg3[%mul3A_125] : memref<640000xi32, #tpu.memory_space<hbm>> -> memref<128xi32, #tpu.memory_space<hbm>>
        %dma_start3A_131 = arith.constant 0 : i32
        %dma_start3A_132 = tpu.memref_slice %arg6[%dma_start3A_126, %dma_start3A_131] : memref<4x128xi32, #tpu.memory_space<vmem>> -> memref<1x128xi32, #tpu.memory_space<vmem>>
        %dma_start3A_133 = tpu.memref_squeeze %dma_start3A_132 : memref<1x128xi32, #tpu.memory_space<vmem>> -> memref<128xi32, #tpu.memory_space<vmem>>
        %dma_start3A_134 = tpu.memref_slice %arg3[%mul3A_125] : memref<640000xi32, #tpu.memory_space<hbm>> -> memref<128xi32, #tpu.memory_space<hbm>>
        tpu.enqueue_dma source(%dma_start3A_134 : memref<128xi32, #tpu.memory_space<hbm>>) target(%dma_start3A_133 : memref<128xi32, #tpu.memory_space<vmem>>) target_semaphore(%arg10 : memref<!tpu.dma_semaphore, #tpu.memory_space<semaphore_mem>>)
        %add3A_135 = arith.constant 32 : i32
        %add3A_136 = arith.addi %add3A, %add3A_135 : i32
        %mul3A_137 = arith.constant 128 : i32
        %mul3A_138 = arith.muli %add3A_136, %mul3A_137 : i32
        %add3A_139 = arith.constant 320000 : i32
        %add3A_140 = arith.addi %add3A_139, %mul3A_138 : i32
        %dma_start3A_141 = arith.constant 1 : i32
        %dma_start3A_142 = arith.constant 0 : i32
        %dma_start3A_143 = tpu.memref_slice %arg7[%dma_start3A_141, %dma_start3A_142] : memref<4x128xi32, #tpu.memory_space<vmem>> -> memref<1x128xi32, #tpu.memory_space<vmem>>
        %dma_start3A_144 = tpu.memref_squeeze %dma_start3A_143 : memref<1x128xi32, #tpu.memory_space<vmem>> -> memref<128xi32, #tpu.memory_space<vmem>>
        %dma_start3A_145 = tpu.memref_slice %arg3[%add3A_140] : memref<640000xi32, #tpu.memory_space<hbm>> -> memref<128xi32, #tpu.memory_space<hbm>>
        %dma_start3A_146 = arith.constant 0 : i32
        %dma_start3A_147 = tpu.memref_slice %arg7[%dma_start3A_141, %dma_start3A_146] : memref<4x128xi32, #tpu.memory_space<vmem>> -> memref<1x128xi32, #tpu.memory_space<vmem>>
        %dma_start3A_148 = tpu.memref_squeeze %dma_start3A_147 : memref<1x128xi32, #tpu.memory_space<vmem>> -> memref<128xi32, #tpu.memory_space<vmem>>
        %dma_start3A_149 = tpu.memref_slice %arg3[%add3A_140] : memref<640000xi32, #tpu.memory_space<hbm>> -> memref<128xi32, #tpu.memory_space<hbm>>
        tpu.enqueue_dma source(%dma_start3A_149 : memref<128xi32, #tpu.memory_space<hbm>>) target(%dma_start3A_148 : memref<128xi32, #tpu.memory_space<vmem>>) target_semaphore(%arg10 : memref<!tpu.dma_semaphore, #tpu.memory_space<semaphore_mem>>)
        %add3A_150 = arith.constant 32 : i32
        %add3A_151 = arith.addi %add3A, %add3A_150 : i32
        %mul3A_152 = arith.constant 128 : i32
        %mul3A_153 = arith.muli %add3A_151, %mul3A_152 : i32
        %dma_wait3A_154 = arith.constant 1 : i32
        %dma_wait3A_155 = arith.constant 0 : i32
        %dma_wait3A_156 = tpu.memref_slice %arg6[%dma_wait3A_154, %dma_wait3A_155] : memref<4x128xi32, #tpu.memory_space<vmem>> -> memref<1x128xi32, #tpu.memory_space<vmem>>
        %dma_wait3A_157 = tpu.memref_squeeze %dma_wait3A_156 : memref<1x128xi32, #tpu.memory_space<vmem>> -> memref<128xi32, #tpu.memory_space<vmem>>
        %dma_wait3A_158 = tpu.memref_slice %arg3[%mul3A_153] : memref<640000xi32, #tpu.memory_space<hbm>> -> memref<128xi32, #tpu.memory_space<hbm>>
        %dma_wait3A_159 = arith.constant 0 : i32
        %dma_wait3A_160 = tpu.memref_slice %arg6[%dma_wait3A_154, %dma_wait3A_159] : memref<4x128xi32, #tpu.memory_space<vmem>> -> memref<1x128xi32, #tpu.memory_space<vmem>>
        %dma_wait3A_161 = tpu.memref_squeeze %dma_wait3A_160 : memref<1x128xi32, #tpu.memory_space<vmem>> -> memref<128xi32, #tpu.memory_space<vmem>>
        %dma_wait3A_162 = tpu.memref_slice %arg3[%mul3A_153] : memref<640000xi32, #tpu.memory_space<hbm>> -> memref<128xi32, #tpu.memory_space<hbm>>
        tpu.wait_dma2 semaphore(%arg10 : memref<!tpu.dma_semaphore, #tpu.memory_space<semaphore_mem>>) src(%dma_wait3A_162 : memref<128xi32, #tpu.memory_space<hbm>>) dst(%dma_wait3A_161 : memref<128xi32, #tpu.memory_space<vmem>>)
        %add3A_163 = arith.constant 32 : i32
        %add3A_164 = arith.addi %add3A, %add3A_163 : i32
        %mul3A_165 = arith.constant 128 : i32
        %mul3A_166 = arith.muli %add3A_164, %mul3A_165 : i32
        %add3A_167 = arith.constant 320000 : i32
        %add3A_168 = arith.addi %add3A_167, %mul3A_166 : i32
        %dma_wait3A_169 = arith.constant 1 : i32
        %dma_wait3A_170 = arith.constant 0 : i32
        %dma_wait3A_171 = tpu.memref_slice %arg7[%dma_wait3A_169, %dma_wait3A_170] : memref<4x128xi32, #tpu.memory_space<vmem>> -> memref<1x128xi32, #tpu.memory_space<vmem>>
        %dma_wait3A_172 = tpu.memref_squeeze %dma_wait3A_171 : memref<1x128xi32, #tpu.memory_space<vmem>> -> memref<128xi32, #tpu.memory_space<vmem>>
        %dma_wait3A_173 = tpu.memref_slice %arg3[%add3A_168] : memref<640000xi32, #tpu.memory_space<hbm>> -> memref<128xi32, #tpu.memory_space<hbm>>
        %dma_wait3A_174 = arith.constant 0 : i32
        %dma_wait3A_175 = tpu.memref_slice %arg7[%dma_wait3A_169, %dma_wait3A_174] : memref<4x128xi32, #tpu.memory_space<vmem>> -> memref<1x128xi32, #tpu.memory_space<vmem>>
        %dma_wait3A_176 = tpu.memref_squeeze %dma_wait3A_175 : memref<1x128xi32, #tpu.memory_space<vmem>> -> memref<128xi32, #tpu.memory_space<vmem>>
        %dma_wait3A_177 = tpu.memref_slice %arg3[%add3A_168] : memref<640000xi32, #tpu.memory_space<hbm>> -> memref<128xi32, #tpu.memory_space<hbm>>
        tpu.wait_dma2 semaphore(%arg10 : memref<!tpu.dma_semaphore, #tpu.memory_space<semaphore_mem>>) src(%dma_wait3A_177 : memref<128xi32, #tpu.memory_space<hbm>>) dst(%dma_wait3A_176 : memref<128xi32, #tpu.memory_space<vmem>>)
        %dma_start3A_178 = arith.constant 1 : i32
        %dma_start3A_179 = arith.constant 1 : i32
        %dma_start3A_180 = arith.constant 0 : i32
        %dma_start3A_181 = arith.constant 0 : i32
        %dma_start3A_182 = tpu.memref_slice %arg8[%dma_start3A_179, %dma_start3A_180, %dma_start3A_181] : memref<3x128x128xf32, #tpu.memory_space<vmem>> -> memref<1x128x128xf32, #tpu.memory_space<vmem>>
        %dma_start3A_183 = tpu.memref_squeeze %dma_start3A_182 : memref<1x128x128xf32, #tpu.memory_space<vmem>> -> memref<128x128xf32, #tpu.memory_space<vmem>>
        %dma_start3A_184 = arith.constant 0 : i32
        %dma_start3A_185 = tpu.memref_slice %arg6[%dma_start3A_178, %dma_start3A_184] : memref<4x128xi32, #tpu.memory_space<vmem>> -> memref<1x128xi32, #tpu.memory_space<vmem>>
        %dma_start3A_186 = tpu.memref_squeeze %dma_start3A_185 : memref<1x128xi32, #tpu.memory_space<vmem>> -> memref<128xi32, #tpu.memory_space<vmem>>
        %dma_start3A_187 = arith.constant 0 : i32
        %dma_start3A_188 = arith.constant 0 : i32
        %dma_start3A_189 = tpu.memref_slice %arg2[%dma_start3A_187, %dma_start3A_188] : memref<10000x128xf32, #tpu.memory_space<hbm>> -> memref<10000x128xf32, #tpu.memory_space<hbm>>
        tpu.enqueue_indirect_dma source(%dma_start3A_189 : memref<10000x128xf32, #tpu.memory_space<hbm>>) target(%dma_start3A_183 : memref<128x128xf32, #tpu.memory_space<vmem>>) offsets(%dma_start3A_186 : memref<128xi32, #tpu.memory_space<vmem>>) semaphore(%arg11 : memref<!tpu.dma_semaphore, #tpu.memory_space<semaphore_mem>>)
      } else {
      }
      %gt3A_117 = arith.constant 2 : i32
      %gt3A_118 = arith.cmpi sgt, %select_n3A, %gt3A_117 : i32
      %convert_element_type3A_119 = arith.extui %gt3A_118 : i1 to i32
      %cond3A_120 = arith.constant 0 : i32
      %cond3A_121 = arith.cmpi ne, %convert_element_type3A_119, %cond3A_120 : i32
      scf.if %cond3A_121 {
        %add3A_122 = arith.constant 64 : i32
        %add3A_123 = arith.addi %add3A, %add3A_122 : i32
        %mul3A_124 = arith.constant 128 : i32
        %mul3A_125 = arith.muli %add3A_123, %mul3A_124 : i32
        %dma_start3A_126 = arith.constant 2 : i32
        %dma_start3A_127 = arith.constant 0 : i32
        %dma_start3A_128 = tpu.memref_slice %arg6[%dma_start3A_126, %dma_start3A_127] : memref<4x128xi32, #tpu.memory_space<vmem>> -> memref<1x128xi32, #tpu.memory_space<vmem>>
        %dma_start3A_129 = tpu.memref_squeeze %dma_start3A_128 : memref<1x128xi32, #tpu.memory_space<vmem>> -> memref<128xi32, #tpu.memory_space<vmem>>
        %dma_start3A_130 = tpu.memref_slice %arg3[%mul3A_125] : memref<640000xi32, #tpu.memory_space<hbm>> -> memref<128xi32, #tpu.memory_space<hbm>>
        %dma_start3A_131 = arith.constant 0 : i32
        %dma_start3A_132 = tpu.memref_slice %arg6[%dma_start3A_126, %dma_start3A_131] : memref<4x128xi32, #tpu.memory_space<vmem>> -> memref<1x128xi32, #tpu.memory_space<vmem>>
        %dma_start3A_133 = tpu.memref_squeeze %dma_start3A_132 : memref<1x128xi32, #tpu.memory_space<vmem>> -> memref<128xi32, #tpu.memory_space<vmem>>
        %dma_start3A_134 = tpu.memref_slice %arg3[%mul3A_125] : memref<640000xi32, #tpu.memory_space<hbm>> -> memref<128xi32, #tpu.memory_space<hbm>>
        tpu.enqueue_dma source(%dma_start3A_134 : memref<128xi32, #tpu.memory_space<hbm>>) target(%dma_start3A_133 : memref<128xi32, #tpu.memory_space<vmem>>) target_semaphore(%arg10 : memref<!tpu.dma_semaphore, #tpu.memory_space<semaphore_mem>>)
        %add3A_135 = arith.constant 64 : i32
        %add3A_136 = arith.addi %add3A, %add3A_135 : i32
        %mul3A_137 = arith.constant 128 : i32
        %mul3A_138 = arith.muli %add3A_136, %mul3A_137 : i32
        %add3A_139 = arith.constant 320000 : i32
        %add3A_140 = arith.addi %add3A_139, %mul3A_138 : i32
        %dma_start3A_141 = arith.constant 2 : i32
        %dma_start3A_142 = arith.constant 0 : i32
        %dma_start3A_143 = tpu.memref_slice %arg7[%dma_start3A_141, %dma_start3A_142] : memref<4x128xi32, #tpu.memory_space<vmem>> -> memref<1x128xi32, #tpu.memory_space<vmem>>
        %dma_start3A_144 = tpu.memref_squeeze %dma_start3A_143 : memref<1x128xi32, #tpu.memory_space<vmem>> -> memref<128xi32, #tpu.memory_space<vmem>>
        %dma_start3A_145 = tpu.memref_slice %arg3[%add3A_140] : memref<640000xi32, #tpu.memory_space<hbm>> -> memref<128xi32, #tpu.memory_space<hbm>>
        %dma_start3A_146 = arith.constant 0 : i32
        %dma_start3A_147 = tpu.memref_slice %arg7[%dma_start3A_141, %dma_start3A_146] : memref<4x128xi32, #tpu.memory_space<vmem>> -> memref<1x128xi32, #tpu.memory_space<vmem>>
        %dma_start3A_148 = tpu.memref_squeeze %dma_start3A_147 : memref<1x128xi32, #tpu.memory_space<vmem>> -> memref<128xi32, #tpu.memory_space<vmem>>
        %dma_start3A_149 = tpu.memref_slice %arg3[%add3A_140] : memref<640000xi32, #tpu.memory_space<hbm>> -> memref<128xi32, #tpu.memory_space<hbm>>
        tpu.enqueue_dma source(%dma_start3A_149 : memref<128xi32, #tpu.memory_space<hbm>>) target(%dma_start3A_148 : memref<128xi32, #tpu.memory_space<vmem>>) target_semaphore(%arg10 : memref<!tpu.dma_semaphore, #tpu.memory_space<semaphore_mem>>)
      } else {
      }
    } else {
    }
    %mul3A_25 = arith.constant 624 : i32
    %mul3A_26 = arith.muli %arg1, %mul3A_25 : i32
    "tpu.region"() ({
      %run_scoped3A = tpu.sem_alloc : memref<!tpu.dma_semaphore, #tpu.memory_space<semaphore_mem>>
      %dma_start3A = arith.constant 0 : i32
      %dma_start3A_46 = tpu.memref_slice %arg9[%mul3A_26, %dma_start3A] : memref<10000x128xf32, #tpu.memory_space<vmem_shared>> -> memref<624x128xf32, #tpu.memory_space<vmem_shared>>
      %dma_start3A_47 = arith.constant 0 : i32
      %dma_start3A_48 = arith.constant 0 : i32
      %dma_start3A_49 = tpu.memref_slice %arg4[%dma_start3A_47, %dma_start3A_48] : memref<624x128xf32, #tpu.memory_space<hbm>> -> memref<624x128xf32, #tpu.memory_space<hbm>>
      tpu.enqueue_dma source(%dma_start3A_49 : memref<624x128xf32, #tpu.memory_space<hbm>>) target(%dma_start3A_46 : memref<624x128xf32, #tpu.memory_space<vmem_shared>>) target_semaphore(%run_scoped3A : memref<!tpu.dma_semaphore, #tpu.memory_space<semaphore_mem>>)
      %dma_wait3A = arith.constant 0 : i32
      %dma_wait3A_50 = tpu.memref_slice %arg9[%mul3A_26, %dma_wait3A] : memref<10000x128xf32, #tpu.memory_space<vmem_shared>> -> memref<624x128xf32, #tpu.memory_space<vmem_shared>>
      %dma_wait3A_51 = arith.constant 0 : i32
      %dma_wait3A_52 = arith.constant 0 : i32
      %dma_wait3A_53 = tpu.memref_slice %arg4[%dma_wait3A_51, %dma_wait3A_52] : memref<624x128xf32, #tpu.memory_space<hbm>> -> memref<624x128xf32, #tpu.memory_space<hbm>>
      tpu.wait_dma2 semaphore(%run_scoped3A : memref<!tpu.dma_semaphore, #tpu.memory_space<semaphore_mem>>) src(%dma_wait3A_53 : memref<624x128xf32, #tpu.memory_space<hbm>>) dst(%dma_wait3A_50 : memref<624x128xf32, #tpu.memory_space<vmem_shared>>)
      tpu.yield
    }) : () -> ()
    %eq3A = arith.constant 15 : i32
    %eq3A_27 = arith.cmpi eq, %arg1, %eq3A : i32
    %convert_element_type3A_28 = arith.extui %eq3A_27 : i1 to i32
    %cond3A_29 = arith.constant 0 : i32
    %cond3A_30 = arith.cmpi ne, %convert_element_type3A_28, %cond3A_29 : i32
    scf.if %cond3A_30 {
      "tpu.region"() ({
        %run_scoped3A = tpu.sem_alloc : memref<!tpu.dma_semaphore, #tpu.memory_space<semaphore_mem>>
        %dma_start3A = arith.constant 9984 : i32
        %dma_start3A_46 = arith.constant 0 : i32
        %dma_start3A_47 = tpu.memref_slice %arg9[%dma_start3A, %dma_start3A_46] : memref<10000x128xf32, #tpu.memory_space<vmem_shared>> -> memref<16x128xf32, #tpu.memory_space<vmem_shared>>
        %dma_start3A_48 = arith.constant 0 : i32
        %dma_start3A_49 = arith.constant 0 : i32
        %dma_start3A_50 = tpu.memref_slice %arg4[%dma_start3A_48, %dma_start3A_49] : memref<624x128xf32, #tpu.memory_space<hbm>> -> memref<16x128xf32, #tpu.memory_space<hbm>>
        tpu.enqueue_dma source(%dma_start3A_50 : memref<16x128xf32, #tpu.memory_space<hbm>>) target(%dma_start3A_47 : memref<16x128xf32, #tpu.memory_space<vmem_shared>>) target_semaphore(%run_scoped3A : memref<!tpu.dma_semaphore, #tpu.memory_space<semaphore_mem>>)
        %dma_wait3A = arith.constant 9984 : i32
        %dma_wait3A_51 = arith.constant 0 : i32
        %dma_wait3A_52 = tpu.memref_slice %arg9[%dma_wait3A, %dma_wait3A_51] : memref<10000x128xf32, #tpu.memory_space<vmem_shared>> -> memref<16x128xf32, #tpu.memory_space<vmem_shared>>
        %dma_wait3A_53 = arith.constant 0 : i32
        %dma_wait3A_54 = arith.constant 0 : i32
        %dma_wait3A_55 = tpu.memref_slice %arg4[%dma_wait3A_53, %dma_wait3A_54] : memref<624x128xf32, #tpu.memory_space<hbm>> -> memref<16x128xf32, #tpu.memory_space<hbm>>
        tpu.wait_dma2 semaphore(%run_scoped3A : memref<!tpu.dma_semaphore, #tpu.memory_space<semaphore_mem>>) src(%dma_wait3A_55 : memref<16x128xf32, #tpu.memory_space<hbm>>) dst(%dma_wait3A_52 : memref<16x128xf32, #tpu.memory_space<vmem_shared>>)
        tpu.yield
      }) : () -> ()
    } else {
    }
    %barrier3A = arith.constant 0 : index
    tpu.barrier barrier_id(%barrier3A)
    %gt3A_31 = arith.constant 0 : i32
    %gt3A_32 = arith.cmpi sgt, %select_n3A, %gt3A_31 : i32
    %convert_element_type3A_33 = arith.extui %gt3A_32 : i1 to i32
    %cond3A_34 = arith.constant 0 : i32
    %cond3A_35 = arith.cmpi ne, %convert_element_type3A_33, %cond3A_34 : i32
    scf.if %cond3A_35 {
      %while3A = arith.constant 0 : i32
      %while3A_46 = arith.constant 0 : i32
      %while3A_47 = arith.subi %select_n3A, %while3A_46 : i32
      %while3A_48 = arith.addi %while3A_46, %while3A_47 : i32
      %while3A_49 = arith.constant 1 : i32
      %while3A_50 = arith.divsi %while3A_47, %while3A_49 : i32
      %while3A_51 = arith.muli %while3A_50, %while3A_49 : i32
      %while3A_52 = arith.addi %while3A_46, %while3A_51 : i32
      %while3A_53 = arith.constant 1 : i32
      scf.for %while3A_97 = %while3A_46 to %while3A_52 step %while3A_53  : i32 {
        %ge3A = arith.constant 1 : i32
        %ge3A_98 = arith.cmpi sge, %while3A_97, %ge3A : i32
        %convert_element_type3A_99 = arith.extui %ge3A_98 : i1 to i32
        %cond3A_100 = arith.constant 0 : i32
        %cond3A_101 = arith.cmpi ne, %convert_element_type3A_99, %cond3A_100 : i32
        scf.if %cond3A_101 {
          %sub3A_197 = arith.constant 1 : i32
          %sub3A_198 = arith.subi %while3A_97, %sub3A_197 : i32
          %jit3A_199 = arith.constant 3 : i32
          %eq3A_200 = arith.constant 0 : i32
          %eq3A_201 = arith.cmpi eq, %jit3A_199, %eq3A_200 : i32
          %jit3A_202 = arith.constant 1 : i32
          %select_n3A_203 = arith.select %eq3A_201, %jit3A_202, %jit3A_199 : i32
          %rem3A_204 = arith.remsi %sub3A_198, %select_n3A_203 : i32
          %ne3A_205 = arith.constant 0 : i32
          %ne3A_206 = arith.cmpi ne, %rem3A_204, %ne3A_205 : i32
          %lt3A_207 = arith.constant 0 : i32
          %lt3A_208 = arith.cmpi slt, %rem3A_204, %lt3A_207 : i32
          %lt3A_209 = arith.constant 0 : i32
          %lt3A_210 = arith.cmpi slt, %select_n3A_203, %lt3A_209 : i32
          %ne3A_211 = arith.xori %lt3A_208, %lt3A_210 : i1
          %and3A_212 = arith.andi %ne3A_211, %ne3A_206 : i1
          %add3A_213 = arith.addi %rem3A_204, %select_n3A_203 : i32
          %select_n3A_214 = arith.select %and3A_212, %add3A_213, %rem3A_204 : i32
          %jit3A_215 = arith.constant 4 : i32
          %eq3A_216 = arith.constant 0 : i32
          %eq3A_217 = arith.cmpi eq, %jit3A_215, %eq3A_216 : i32
          %jit3A_218 = arith.constant 1 : i32
          %select_n3A_219 = arith.select %eq3A_217, %jit3A_218, %jit3A_215 : i32
          %rem3A_220 = arith.remsi %sub3A_198, %select_n3A_219 : i32
          %ne3A_221 = arith.constant 0 : i32
          %ne3A_222 = arith.cmpi ne, %rem3A_220, %ne3A_221 : i32
          %lt3A_223 = arith.constant 0 : i32
          %lt3A_224 = arith.cmpi slt, %rem3A_220, %lt3A_223 : i32
          %lt3A_225 = arith.constant 0 : i32
          %lt3A_226 = arith.cmpi slt, %select_n3A_219, %lt3A_225 : i32
          %ne3A_227 = arith.xori %lt3A_224, %lt3A_226 : i1
          %and3A_228 = arith.andi %ne3A_227, %ne3A_222 : i1
          %add3A_229 = arith.addi %rem3A_220, %select_n3A_219 : i32
          %select_n3A_230 = arith.select %and3A_228, %add3A_229, %rem3A_220 : i32
          %dma_wait3A_231 = arith.constant 0 : i32
          %dma_wait3A_232 = arith.constant 0 : i32
          %dma_wait3A_233 = tpu.memref_slice %arg8[%select_n3A_214, %dma_wait3A_231, %dma_wait3A_232] : memref<3x128x128xf32, #tpu.memory_space<vmem>> -> memref<1x128x128xf32, #tpu.memory_space<vmem>>
          %dma_wait3A_234 = tpu.memref_squeeze %dma_wait3A_233 : memref<1x128x128xf32, #tpu.memory_space<vmem>> -> memref<128x128xf32, #tpu.memory_space<vmem>>
          %dma_wait3A_235 = arith.constant 0 : i32
          %dma_wait3A_236 = tpu.memref_slice %arg7[%select_n3A_230, %dma_wait3A_235] : memref<4x128xi32, #tpu.memory_space<vmem>> -> memref<1x128xi32, #tpu.memory_space<vmem>>
          %dma_wait3A_237 = tpu.memref_squeeze %dma_wait3A_236 : memref<1x128xi32, #tpu.memory_space<vmem>> -> memref<128xi32, #tpu.memory_space<vmem>>
          %dma_wait3A_238 = arith.constant 0 : i32
          %dma_wait3A_239 = arith.constant 0 : i32
          %dma_wait3A_240 = tpu.memref_slice %arg9[%dma_wait3A_238, %dma_wait3A_239] : memref<10000x128xf32, #tpu.memory_space<vmem_shared>> -> memref<10000x128xf32, #tpu.memory_space<vmem_shared>>
          tpu.wait_indirect_dma semaphore(%arg12 : memref<!tpu.dma_semaphore, #tpu.memory_space<semaphore_mem>>) src(%dma_wait3A_234 : memref<128x128xf32, #tpu.memory_space<vmem>>) dst(%dma_wait3A_240 : memref<10000x128xf32, #tpu.memory_space<vmem_shared>>)
        } else {
        }
        %add3A_102 = arith.constant 2 : i32
        %add3A_103 = arith.addi %while3A_97, %add3A_102 : i32
        %lt3A_104 = arith.cmpi slt, %add3A_103, %select_n3A : i32
        %convert_element_type3A_105 = arith.extui %lt3A_104 : i1 to i32
        %cond3A_106 = arith.constant 0 : i32
        %cond3A_107 = arith.cmpi ne, %convert_element_type3A_105, %cond3A_106 : i32
        scf.if %cond3A_107 {
          %add3A_197 = arith.constant 2 : i32
          %add3A_198 = arith.addi %while3A_97, %add3A_197 : i32
          %jit3A_199 = arith.constant 4 : i32
          %eq3A_200 = arith.constant 0 : i32
          %eq3A_201 = arith.cmpi eq, %jit3A_199, %eq3A_200 : i32
          %jit3A_202 = arith.constant 1 : i32
          %select_n3A_203 = arith.select %eq3A_201, %jit3A_202, %jit3A_199 : i32
          %rem3A_204 = arith.remsi %add3A_198, %select_n3A_203 : i32
          %ne3A_205 = arith.constant 0 : i32
          %ne3A_206 = arith.cmpi ne, %rem3A_204, %ne3A_205 : i32
          %lt3A_207 = arith.constant 0 : i32
          %lt3A_208 = arith.cmpi slt, %rem3A_204, %lt3A_207 : i32
          %lt3A_209 = arith.constant 0 : i32
          %lt3A_210 = arith.cmpi slt, %select_n3A_203, %lt3A_209 : i32
          %ne3A_211 = arith.xori %lt3A_208, %lt3A_210 : i1
          %and3A_212 = arith.andi %ne3A_211, %ne3A_206 : i1
          %add3A_213 = arith.addi %rem3A_204, %select_n3A_203 : i32
          %select_n3A_214 = arith.select %and3A_212, %add3A_213, %rem3A_204 : i32
          %mul3A_215 = arith.constant 32 : i32
          %mul3A_216 = arith.muli %add3A_198, %mul3A_215 : i32
          %add3A_217 = arith.addi %add3A, %mul3A_216 : i32
          %mul3A_218 = arith.constant 128 : i32
          %mul3A_219 = arith.muli %add3A_217, %mul3A_218 : i32
          %dma_wait3A_220 = arith.constant 0 : i32
          %dma_wait3A_221 = tpu.memref_slice %arg6[%select_n3A_214, %dma_wait3A_220] : memref<4x128xi32, #tpu.memory_space<vmem>> -> memref<1x128xi32, #tpu.memory_space<vmem>>
          %dma_wait3A_222 = tpu.memref_squeeze %dma_wait3A_221 : memref<1x128xi32, #tpu.memory_space<vmem>> -> memref<128xi32, #tpu.memory_space<vmem>>
          %dma_wait3A_223 = tpu.memref_slice %arg3[%mul3A_219] : memref<640000xi32, #tpu.memory_space<hbm>> -> memref<128xi32, #tpu.memory_space<hbm>>
          %dma_wait3A_224 = arith.constant 0 : i32
          %dma_wait3A_225 = tpu.memref_slice %arg6[%select_n3A_214, %dma_wait3A_224] : memref<4x128xi32, #tpu.memory_space<vmem>> -> memref<1x128xi32, #tpu.memory_space<vmem>>
          %dma_wait3A_226 = tpu.memref_squeeze %dma_wait3A_225 : memref<1x128xi32, #tpu.memory_space<vmem>> -> memref<128xi32, #tpu.memory_space<vmem>>
          %dma_wait3A_227 = tpu.memref_slice %arg3[%mul3A_219] : memref<640000xi32, #tpu.memory_space<hbm>> -> memref<128xi32, #tpu.memory_space<hbm>>
          tpu.wait_dma2 semaphore(%arg10 : memref<!tpu.dma_semaphore, #tpu.memory_space<semaphore_mem>>) src(%dma_wait3A_227 : memref<128xi32, #tpu.memory_space<hbm>>) dst(%dma_wait3A_226 : memref<128xi32, #tpu.memory_space<vmem>>)
          %mul3A_228 = arith.constant 32 : i32
          %mul3A_229 = arith.muli %add3A_198, %mul3A_228 : i32
          %add3A_230 = arith.addi %add3A, %mul3A_229 : i32
          %mul3A_231 = arith.constant 128 : i32
          %mul3A_232 = arith.muli %add3A_230, %mul3A_231 : i32
          %add3A_233 = arith.constant 320000 : i32
          %add3A_234 = arith.addi %add3A_233, %mul3A_232 : i32
          %dma_wait3A_235 = arith.constant 0 : i32
          %dma_wait3A_236 = tpu.memref_slice %arg7[%select_n3A_214, %dma_wait3A_235] : memref<4x128xi32, #tpu.memory_space<vmem>> -> memref<1x128xi32, #tpu.memory_space<vmem>>
          %dma_wait3A_237 = tpu.memref_squeeze %dma_wait3A_236 : memref<1x128xi32, #tpu.memory_space<vmem>> -> memref<128xi32, #tpu.memory_space<vmem>>
          %dma_wait3A_238 = tpu.memref_slice %arg3[%add3A_234] : memref<640000xi32, #tpu.memory_space<hbm>> -> memref<128xi32, #tpu.memory_space<hbm>>
          %dma_wait3A_239 = arith.constant 0 : i32
          %dma_wait3A_240 = tpu.memref_slice %arg7[%select_n3A_214, %dma_wait3A_239] : memref<4x128xi32, #tpu.memory_space<vmem>> -> memref<1x128xi32, #tpu.memory_space<vmem>>
          %dma_wait3A_241 = tpu.memref_squeeze %dma_wait3A_240 : memref<1x128xi32, #tpu.memory_space<vmem>> -> memref<128xi32, #tpu.memory_space<vmem>>
          %dma_wait3A_242 = tpu.memref_slice %arg3[%add3A_234] : memref<640000xi32, #tpu.memory_space<hbm>> -> memref<128xi32, #tpu.memory_space<hbm>>
          tpu.wait_dma2 semaphore(%arg10 : memref<!tpu.dma_semaphore, #tpu.memory_space<semaphore_mem>>) src(%dma_wait3A_242 : memref<128xi32, #tpu.memory_space<hbm>>) dst(%dma_wait3A_241 : memref<128xi32, #tpu.memory_space<vmem>>)
          %add3A_243 = arith.constant 2 : i32
          %add3A_244 = arith.addi %while3A_97, %add3A_243 : i32
          %jit3A_245 = arith.constant 4 : i32
          %eq3A_246 = arith.constant 0 : i32
          %eq3A_247 = arith.cmpi eq, %jit3A_245, %eq3A_246 : i32
          %jit3A_248 = arith.constant 1 : i32
          %select_n3A_249 = arith.select %eq3A_247, %jit3A_248, %jit3A_245 : i32
          %rem3A_250 = arith.remsi %add3A_244, %select_n3A_249 : i32
          %ne3A_251 = arith.constant 0 : i32
          %ne3A_252 = arith.cmpi ne, %rem3A_250, %ne3A_251 : i32
          %lt3A_253 = arith.constant 0 : i32
          %lt3A_254 = arith.cmpi slt, %rem3A_250, %lt3A_253 : i32
          %lt3A_255 = arith.constant 0 : i32
          %lt3A_256 = arith.cmpi slt, %select_n3A_249, %lt3A_255 : i32
          %ne3A_257 = arith.xori %lt3A_254, %lt3A_256 : i1
          %and3A_258 = arith.andi %ne3A_257, %ne3A_252 : i1
          %add3A_259 = arith.addi %rem3A_250, %select_n3A_249 : i32
          %select_n3A_260 = arith.select %and3A_258, %add3A_259, %rem3A_250 : i32
          %jit3A_261 = arith.constant 3 : i32
          %eq3A_262 = arith.constant 0 : i32
          %eq3A_263 = arith.cmpi eq, %jit3A_261, %eq3A_262 : i32
          %jit3A_264 = arith.constant 1 : i32
          %select_n3A_265 = arith.select %eq3A_263, %jit3A_264, %jit3A_261 : i32
          %rem3A_266 = arith.remsi %add3A_244, %select_n3A_265 : i32
          %ne3A_267 = arith.constant 0 : i32
          %ne3A_268 = arith.cmpi ne, %rem3A_266, %ne3A_267 : i32
          %lt3A_269 = arith.constant 0 : i32
          %lt3A_270 = arith.cmpi slt, %rem3A_266, %lt3A_269 : i32
          %lt3A_271 = arith.constant 0 : i32
          %lt3A_272 = arith.cmpi slt, %select_n3A_265, %lt3A_271 : i32
          %ne3A_273 = arith.xori %lt3A_270, %lt3A_272 : i1
          %and3A_274 = arith.andi %ne3A_273, %ne3A_268 : i1
          %add3A_275 = arith.addi %rem3A_266, %select_n3A_265 : i32
          %select_n3A_276 = arith.select %and3A_274, %add3A_275, %rem3A_266 : i32
          %dma_start3A_277 = arith.constant 0 : i32
          %dma_start3A_278 = arith.constant 0 : i32
          %dma_start3A_279 = tpu.memref_slice %arg8[%select_n3A_276, %dma_start3A_277, %dma_start3A_278] : memref<3x128x128xf32, #tpu.memory_space<vmem>> -> memref<1x128x128xf32, #tpu.memory_space<vmem>>
          %dma_start3A_280 = tpu.memref_squeeze %dma_start3A_279 : memref<1x128x128xf32, #tpu.memory_space<vmem>> -> memref<128x128xf32, #tpu.memory_space<vmem>>
          %dma_start3A_281 = arith.constant 0 : i32
          %dma_start3A_282 = tpu.memref_slice %arg6[%select_n3A_260, %dma_start3A_281] : memref<4x128xi32, #tpu.memory_space<vmem>> -> memref<1x128xi32, #tpu.memory_space<vmem>>
          %dma_start3A_283 = tpu.memref_squeeze %dma_start3A_282 : memref<1x128xi32, #tpu.memory_space<vmem>> -> memref<128xi32, #tpu.memory_space<vmem>>
          %dma_start3A_284 = arith.constant 0 : i32
          %dma_start3A_285 = arith.constant 0 : i32
          %dma_start3A_286 = tpu.memref_slice %arg2[%dma_start3A_284, %dma_start3A_285] : memref<10000x128xf32, #tpu.memory_space<hbm>> -> memref<10000x128xf32, #tpu.memory_space<hbm>>
          tpu.enqueue_indirect_dma source(%dma_start3A_286 : memref<10000x128xf32, #tpu.memory_space<hbm>>) target(%dma_start3A_280 : memref<128x128xf32, #tpu.memory_space<vmem>>) offsets(%dma_start3A_283 : memref<128xi32, #tpu.memory_space<vmem>>) semaphore(%arg11 : memref<!tpu.dma_semaphore, #tpu.memory_space<semaphore_mem>>)
        } else {
        }
        %jit3A_108 = arith.constant 4 : i32
        %eq3A_109 = arith.constant 0 : i32
        %eq3A_110 = arith.cmpi eq, %jit3A_108, %eq3A_109 : i32
        %jit3A_111 = arith.constant 1 : i32
        %select_n3A_112 = arith.select %eq3A_110, %jit3A_111, %jit3A_108 : i32
        %rem3A_113 = arith.remsi %while3A_97, %select_n3A_112 : i32
        %ne3A_114 = arith.constant 0 : i32
        %ne3A_115 = arith.cmpi ne, %rem3A_113, %ne3A_114 : i32
        %lt3A_116 = arith.constant 0 : i32
        %lt3A_117 = arith.cmpi slt, %rem3A_113, %lt3A_116 : i32
        %lt3A_118 = arith.constant 0 : i32
        %lt3A_119 = arith.cmpi slt, %select_n3A_112, %lt3A_118 : i32
        %ne3A_120 = arith.xori %lt3A_117, %lt3A_119 : i1
        %and3A_121 = arith.andi %ne3A_120, %ne3A_115 : i1
        %add3A_122 = arith.addi %rem3A_113, %select_n3A_112 : i32
        %select_n3A_123 = arith.select %and3A_121, %add3A_122, %rem3A_113 : i32
        %jit3A_124 = arith.constant 3 : i32
        %eq3A_125 = arith.constant 0 : i32
        %eq3A_126 = arith.cmpi eq, %jit3A_124, %eq3A_125 : i32
        %jit3A_127 = arith.constant 1 : i32
        %select_n3A_128 = arith.select %eq3A_126, %jit3A_127, %jit3A_124 : i32
        %rem3A_129 = arith.remsi %while3A_97, %select_n3A_128 : i32
        %ne3A_130 = arith.constant 0 : i32
        %ne3A_131 = arith.cmpi ne, %rem3A_129, %ne3A_130 : i32
        %lt3A_132 = arith.constant 0 : i32
        %lt3A_133 = arith.cmpi slt, %rem3A_129, %lt3A_132 : i32
        %lt3A_134 = arith.constant 0 : i32
        %lt3A_135 = arith.cmpi slt, %select_n3A_128, %lt3A_134 : i32
        %ne3A_136 = arith.xori %lt3A_133, %lt3A_135 : i1
        %and3A_137 = arith.andi %ne3A_136, %ne3A_131 : i1
        %add3A_138 = arith.addi %rem3A_129, %select_n3A_128 : i32
        %select_n3A_139 = arith.select %and3A_137, %add3A_138, %rem3A_129 : i32
        %dma_wait3A_140 = arith.constant 0 : i32
        %dma_wait3A_141 = arith.constant 0 : i32
        %dma_wait3A_142 = tpu.memref_slice %arg8[%select_n3A_139, %dma_wait3A_140, %dma_wait3A_141] : memref<3x128x128xf32, #tpu.memory_space<vmem>> -> memref<1x128x128xf32, #tpu.memory_space<vmem>>
        %dma_wait3A_143 = tpu.memref_squeeze %dma_wait3A_142 : memref<1x128x128xf32, #tpu.memory_space<vmem>> -> memref<128x128xf32, #tpu.memory_space<vmem>>
        %dma_wait3A_144 = arith.constant 0 : i32
        %dma_wait3A_145 = tpu.memref_slice %arg6[%select_n3A_123, %dma_wait3A_144] : memref<4x128xi32, #tpu.memory_space<vmem>> -> memref<1x128xi32, #tpu.memory_space<vmem>>
        %dma_wait3A_146 = tpu.memref_squeeze %dma_wait3A_145 : memref<1x128xi32, #tpu.memory_space<vmem>> -> memref<128xi32, #tpu.memory_space<vmem>>
        %dma_wait3A_147 = arith.constant 0 : i32
        %dma_wait3A_148 = arith.constant 0 : i32
        %dma_wait3A_149 = tpu.memref_slice %arg2[%dma_wait3A_147, %dma_wait3A_148] : memref<10000x128xf32, #tpu.memory_space<hbm>> -> memref<10000x128xf32, #tpu.memory_space<hbm>>
        tpu.wait_indirect_dma semaphore(%arg11 : memref<!tpu.dma_semaphore, #tpu.memory_space<semaphore_mem>>) src(%dma_wait3A_149 : memref<10000x128xf32, #tpu.memory_space<hbm>>) dst(%dma_wait3A_143 : memref<128x128xf32, #tpu.memory_space<vmem>>)
        %jit3A_150 = arith.constant 3 : i32
        %eq3A_151 = arith.constant 0 : i32
        %eq3A_152 = arith.cmpi eq, %jit3A_150, %eq3A_151 : i32
        %jit3A_153 = arith.constant 1 : i32
        %select_n3A_154 = arith.select %eq3A_152, %jit3A_153, %jit3A_150 : i32
        %rem3A_155 = arith.remsi %while3A_97, %select_n3A_154 : i32
        %ne3A_156 = arith.constant 0 : i32
        %ne3A_157 = arith.cmpi ne, %rem3A_155, %ne3A_156 : i32
        %lt3A_158 = arith.constant 0 : i32
        %lt3A_159 = arith.cmpi slt, %rem3A_155, %lt3A_158 : i32
        %lt3A_160 = arith.constant 0 : i32
        %lt3A_161 = arith.cmpi slt, %select_n3A_154, %lt3A_160 : i32
        %ne3A_162 = arith.xori %lt3A_159, %lt3A_161 : i1
        %and3A_163 = arith.andi %ne3A_162, %ne3A_157 : i1
        %add3A_164 = arith.addi %rem3A_155, %select_n3A_154 : i32
        %select_n3A_165 = arith.select %and3A_163, %add3A_164, %rem3A_155 : i32
        %jit3A_166 = arith.constant 4 : i32
        %eq3A_167 = arith.constant 0 : i32
        %eq3A_168 = arith.cmpi eq, %jit3A_166, %eq3A_167 : i32
        %jit3A_169 = arith.constant 1 : i32
        %select_n3A_170 = arith.select %eq3A_168, %jit3A_169, %jit3A_166 : i32
        %rem3A_171 = arith.remsi %while3A_97, %select_n3A_170 : i32
        %ne3A_172 = arith.constant 0 : i32
        %ne3A_173 = arith.cmpi ne, %rem3A_171, %ne3A_172 : i32
        %lt3A_174 = arith.constant 0 : i32
        %lt3A_175 = arith.cmpi slt, %rem3A_171, %lt3A_174 : i32
        %lt3A_176 = arith.constant 0 : i32
        %lt3A_177 = arith.cmpi slt, %select_n3A_170, %lt3A_176 : i32
        %ne3A_178 = arith.xori %lt3A_175, %lt3A_177 : i1
        %and3A_179 = arith.andi %ne3A_178, %ne3A_173 : i1
        %add3A_180 = arith.addi %rem3A_171, %select_n3A_170 : i32
        %select_n3A_181 = arith.select %and3A_179, %add3A_180, %rem3A_171 : i32
        %dma_start3A = arith.constant 0 : i32
        %dma_start3A_182 = arith.constant 0 : i32
        %dma_start3A_183 = tpu.memref_slice %arg8[%select_n3A_165, %dma_start3A, %dma_start3A_182] : memref<3x128x128xf32, #tpu.memory_space<vmem>> -> memref<1x128x128xf32, #tpu.memory_space<vmem>>
        %dma_start3A_184 = tpu.memref_squeeze %dma_start3A_183 : memref<1x128x128xf32, #tpu.memory_space<vmem>> -> memref<128x128xf32, #tpu.memory_space<vmem>>
        %dma_start3A_185 = arith.constant 0 : i32
        %dma_start3A_186 = tpu.memref_slice %arg7[%select_n3A_181, %dma_start3A_185] : memref<4x128xi32, #tpu.memory_space<vmem>> -> memref<1x128xi32, #tpu.memory_space<vmem>>
        %dma_start3A_187 = tpu.memref_squeeze %dma_start3A_186 : memref<1x128xi32, #tpu.memory_space<vmem>> -> memref<128xi32, #tpu.memory_space<vmem>>
        %dma_start3A_188 = arith.constant 0 : i32
        %dma_start3A_189 = arith.constant 0 : i32
        %dma_start3A_190 = tpu.memref_slice %arg9[%dma_start3A_188, %dma_start3A_189] : memref<10000x128xf32, #tpu.memory_space<vmem_shared>> -> memref<10000x128xf32, #tpu.memory_space<vmem_shared>>
        tpu.enqueue_indirect_dma source(%dma_start3A_184 : memref<128x128xf32, #tpu.memory_space<vmem>>) target(%dma_start3A_190 : memref<10000x128xf32, #tpu.memory_space<vmem_shared>>) offsets(%dma_start3A_187 : memref<128xi32, #tpu.memory_space<vmem>>) semaphore(%arg12 : memref<!tpu.dma_semaphore, #tpu.memory_space<semaphore_mem>>) {add = true}
        %add3A_191 = arith.constant 3 : i32
        %add3A_192 = arith.addi %while3A_97, %add3A_191 : i32
        %lt3A_193 = arith.cmpi slt, %add3A_192, %select_n3A : i32
        %convert_element_type3A_194 = arith.extui %lt3A_193 : i1 to i32
        %cond3A_195 = arith.constant 0 : i32
        %cond3A_196 = arith.cmpi ne, %convert_element_type3A_194, %cond3A_195 : i32
        scf.if %cond3A_196 {
          %add3A_197 = arith.constant 3 : i32
          %add3A_198 = arith.addi %while3A_97, %add3A_197 : i32
          %jit3A_199 = arith.constant 4 : i32
          %eq3A_200 = arith.constant 0 : i32
          %eq3A_201 = arith.cmpi eq, %jit3A_199, %eq3A_200 : i32
          %jit3A_202 = arith.constant 1 : i32
          %select_n3A_203 = arith.select %eq3A_201, %jit3A_202, %jit3A_199 : i32
          %rem3A_204 = arith.remsi %add3A_198, %select_n3A_203 : i32
          %ne3A_205 = arith.constant 0 : i32
          %ne3A_206 = arith.cmpi ne, %rem3A_204, %ne3A_205 : i32
          %lt3A_207 = arith.constant 0 : i32
          %lt3A_208 = arith.cmpi slt, %rem3A_204, %lt3A_207 : i32
          %lt3A_209 = arith.constant 0 : i32
          %lt3A_210 = arith.cmpi slt, %select_n3A_203, %lt3A_209 : i32
          %ne3A_211 = arith.xori %lt3A_208, %lt3A_210 : i1
          %and3A_212 = arith.andi %ne3A_211, %ne3A_206 : i1
          %add3A_213 = arith.addi %rem3A_204, %select_n3A_203 : i32
          %select_n3A_214 = arith.select %and3A_212, %add3A_213, %rem3A_204 : i32
          %mul3A_215 = arith.constant 32 : i32
          %mul3A_216 = arith.muli %add3A_198, %mul3A_215 : i32
          %add3A_217 = arith.addi %add3A, %mul3A_216 : i32
          %mul3A_218 = arith.constant 128 : i32
          %mul3A_219 = arith.muli %add3A_217, %mul3A_218 : i32
          %dma_start3A_220 = arith.constant 0 : i32
          %dma_start3A_221 = tpu.memref_slice %arg6[%select_n3A_214, %dma_start3A_220] : memref<4x128xi32, #tpu.memory_space<vmem>> -> memref<1x128xi32, #tpu.memory_space<vmem>>
          %dma_start3A_222 = tpu.memref_squeeze %dma_start3A_221 : memref<1x128xi32, #tpu.memory_space<vmem>> -> memref<128xi32, #tpu.memory_space<vmem>>
          %dma_start3A_223 = tpu.memref_slice %arg3[%mul3A_219] : memref<640000xi32, #tpu.memory_space<hbm>> -> memref<128xi32, #tpu.memory_space<hbm>>
          %dma_start3A_224 = arith.constant 0 : i32
          %dma_start3A_225 = tpu.memref_slice %arg6[%select_n3A_214, %dma_start3A_224] : memref<4x128xi32, #tpu.memory_space<vmem>> -> memref<1x128xi32, #tpu.memory_space<vmem>>
          %dma_start3A_226 = tpu.memref_squeeze %dma_start3A_225 : memref<1x128xi32, #tpu.memory_space<vmem>> -> memref<128xi32, #tpu.memory_space<vmem>>
          %dma_start3A_227 = tpu.memref_slice %arg3[%mul3A_219] : memref<640000xi32, #tpu.memory_space<hbm>> -> memref<128xi32, #tpu.memory_space<hbm>>
          tpu.enqueue_dma source(%dma_start3A_227 : memref<128xi32, #tpu.memory_space<hbm>>) target(%dma_start3A_226 : memref<128xi32, #tpu.memory_space<vmem>>) target_semaphore(%arg10 : memref<!tpu.dma_semaphore, #tpu.memory_space<semaphore_mem>>)
          %mul3A_228 = arith.constant 32 : i32
          %mul3A_229 = arith.muli %add3A_198, %mul3A_228 : i32
          %add3A_230 = arith.addi %add3A, %mul3A_229 : i32
          %mul3A_231 = arith.constant 128 : i32
          %mul3A_232 = arith.muli %add3A_230, %mul3A_231 : i32
          %add3A_233 = arith.constant 320000 : i32
          %add3A_234 = arith.addi %add3A_233, %mul3A_232 : i32
          %dma_start3A_235 = arith.constant 0 : i32
          %dma_start3A_236 = tpu.memref_slice %arg7[%select_n3A_214, %dma_start3A_235] : memref<4x128xi32, #tpu.memory_space<vmem>> -> memref<1x128xi32, #tpu.memory_space<vmem>>
          %dma_start3A_237 = tpu.memref_squeeze %dma_start3A_236 : memref<1x128xi32, #tpu.memory_space<vmem>> -> memref<128xi32, #tpu.memory_space<vmem>>
          %dma_start3A_238 = tpu.memref_slice %arg3[%add3A_234] : memref<640000xi32, #tpu.memory_space<hbm>> -> memref<128xi32, #tpu.memory_space<hbm>>
          %dma_start3A_239 = arith.constant 0 : i32
          %dma_start3A_240 = tpu.memref_slice %arg7[%select_n3A_214, %dma_start3A_239] : memref<4x128xi32, #tpu.memory_space<vmem>> -> memref<1x128xi32, #tpu.memory_space<vmem>>
          %dma_start3A_241 = tpu.memref_squeeze %dma_start3A_240 : memref<1x128xi32, #tpu.memory_space<vmem>> -> memref<128xi32, #tpu.memory_space<vmem>>
          %dma_start3A_242 = tpu.memref_slice %arg3[%add3A_234] : memref<640000xi32, #tpu.memory_space<hbm>> -> memref<128xi32, #tpu.memory_space<hbm>>
          tpu.enqueue_dma source(%dma_start3A_242 : memref<128xi32, #tpu.memory_space<hbm>>) target(%dma_start3A_241 : memref<128xi32, #tpu.memory_space<vmem>>) target_semaphore(%arg10 : memref<!tpu.dma_semaphore, #tpu.memory_space<semaphore_mem>>)
        } else {
        }
      }
      %while3A_54 = arith.constant 1 : i32
      scf.for %while3A_97 = %while3A_52 to %while3A_48 step %while3A_54  : i32 {
        %ge3A = arith.constant 1 : i32
        %ge3A_98 = arith.cmpi sge, %while3A_97, %ge3A : i32
        %convert_element_type3A_99 = arith.extui %ge3A_98 : i1 to i32
        %cond3A_100 = arith.constant 0 : i32
        %cond3A_101 = arith.cmpi ne, %convert_element_type3A_99, %cond3A_100 : i32
        scf.if %cond3A_101 {
          %sub3A_197 = arith.constant 1 : i32
          %sub3A_198 = arith.subi %while3A_97, %sub3A_197 : i32
          %jit3A_199 = arith.constant 3 : i32
          %eq3A_200 = arith.constant 0 : i32
          %eq3A_201 = arith.cmpi eq, %jit3A_199, %eq3A_200 : i32
          %jit3A_202 = arith.constant 1 : i32
          %select_n3A_203 = arith.select %eq3A_201, %jit3A_202, %jit3A_199 : i32
          %rem3A_204 = arith.remsi %sub3A_198, %select_n3A_203 : i32
          %ne3A_205 = arith.constant 0 : i32
          %ne3A_206 = arith.cmpi ne, %rem3A_204, %ne3A_205 : i32
          %lt3A_207 = arith.constant 0 : i32
          %lt3A_208 = arith.cmpi slt, %rem3A_204, %lt3A_207 : i32
          %lt3A_209 = arith.constant 0 : i32
          %lt3A_210 = arith.cmpi slt, %select_n3A_203, %lt3A_209 : i32
          %ne3A_211 = arith.xori %lt3A_208, %lt3A_210 : i1
          %and3A_212 = arith.andi %ne3A_211, %ne3A_206 : i1
          %add3A_213 = arith.addi %rem3A_204, %select_n3A_203 : i32
          %select_n3A_214 = arith.select %and3A_212, %add3A_213, %rem3A_204 : i32
          %jit3A_215 = arith.constant 4 : i32
          %eq3A_216 = arith.constant 0 : i32
          %eq3A_217 = arith.cmpi eq, %jit3A_215, %eq3A_216 : i32
          %jit3A_218 = arith.constant 1 : i32
          %select_n3A_219 = arith.select %eq3A_217, %jit3A_218, %jit3A_215 : i32
          %rem3A_220 = arith.remsi %sub3A_198, %select_n3A_219 : i32
          %ne3A_221 = arith.constant 0 : i32
          %ne3A_222 = arith.cmpi ne, %rem3A_220, %ne3A_221 : i32
          %lt3A_223 = arith.constant 0 : i32
          %lt3A_224 = arith.cmpi slt, %rem3A_220, %lt3A_223 : i32
          %lt3A_225 = arith.constant 0 : i32
          %lt3A_226 = arith.cmpi slt, %select_n3A_219, %lt3A_225 : i32
          %ne3A_227 = arith.xori %lt3A_224, %lt3A_226 : i1
          %and3A_228 = arith.andi %ne3A_227, %ne3A_222 : i1
          %add3A_229 = arith.addi %rem3A_220, %select_n3A_219 : i32
          %select_n3A_230 = arith.select %and3A_228, %add3A_229, %rem3A_220 : i32
          %dma_wait3A_231 = arith.constant 0 : i32
          %dma_wait3A_232 = arith.constant 0 : i32
          %dma_wait3A_233 = tpu.memref_slice %arg8[%select_n3A_214, %dma_wait3A_231, %dma_wait3A_232] : memref<3x128x128xf32, #tpu.memory_space<vmem>> -> memref<1x128x128xf32, #tpu.memory_space<vmem>>
          %dma_wait3A_234 = tpu.memref_squeeze %dma_wait3A_233 : memref<1x128x128xf32, #tpu.memory_space<vmem>> -> memref<128x128xf32, #tpu.memory_space<vmem>>
          %dma_wait3A_235 = arith.constant 0 : i32
          %dma_wait3A_236 = tpu.memref_slice %arg7[%select_n3A_230, %dma_wait3A_235] : memref<4x128xi32, #tpu.memory_space<vmem>> -> memref<1x128xi32, #tpu.memory_space<vmem>>
          %dma_wait3A_237 = tpu.memref_squeeze %dma_wait3A_236 : memref<1x128xi32, #tpu.memory_space<vmem>> -> memref<128xi32, #tpu.memory_space<vmem>>
          %dma_wait3A_238 = arith.constant 0 : i32
          %dma_wait3A_239 = arith.constant 0 : i32
          %dma_wait3A_240 = tpu.memref_slice %arg9[%dma_wait3A_238, %dma_wait3A_239] : memref<10000x128xf32, #tpu.memory_space<vmem_shared>> -> memref<10000x128xf32, #tpu.memory_space<vmem_shared>>
          tpu.wait_indirect_dma semaphore(%arg12 : memref<!tpu.dma_semaphore, #tpu.memory_space<semaphore_mem>>) src(%dma_wait3A_234 : memref<128x128xf32, #tpu.memory_space<vmem>>) dst(%dma_wait3A_240 : memref<10000x128xf32, #tpu.memory_space<vmem_shared>>)
        } else {
        }
        %add3A_102 = arith.constant 2 : i32
        %add3A_103 = arith.addi %while3A_97, %add3A_102 : i32
        %lt3A_104 = arith.cmpi slt, %add3A_103, %select_n3A : i32
        %convert_element_type3A_105 = arith.extui %lt3A_104 : i1 to i32
        %cond3A_106 = arith.constant 0 : i32
        %cond3A_107 = arith.cmpi ne, %convert_element_type3A_105, %cond3A_106 : i32
        scf.if %cond3A_107 {
          %add3A_197 = arith.constant 2 : i32
          %add3A_198 = arith.addi %while3A_97, %add3A_197 : i32
          %jit3A_199 = arith.constant 4 : i32
          %eq3A_200 = arith.constant 0 : i32
          %eq3A_201 = arith.cmpi eq, %jit3A_199, %eq3A_200 : i32
          %jit3A_202 = arith.constant 1 : i32
          %select_n3A_203 = arith.select %eq3A_201, %jit3A_202, %jit3A_199 : i32
          %rem3A_204 = arith.remsi %add3A_198, %select_n3A_203 : i32
          %ne3A_205 = arith.constant 0 : i32
          %ne3A_206 = arith.cmpi ne, %rem3A_204, %ne3A_205 : i32
          %lt3A_207 = arith.constant 0 : i32
          %lt3A_208 = arith.cmpi slt, %rem3A_204, %lt3A_207 : i32
          %lt3A_209 = arith.constant 0 : i32
          %lt3A_210 = arith.cmpi slt, %select_n3A_203, %lt3A_209 : i32
          %ne3A_211 = arith.xori %lt3A_208, %lt3A_210 : i1
          %and3A_212 = arith.andi %ne3A_211, %ne3A_206 : i1
          %add3A_213 = arith.addi %rem3A_204, %select_n3A_203 : i32
          %select_n3A_214 = arith.select %and3A_212, %add3A_213, %rem3A_204 : i32
          %mul3A_215 = arith.constant 32 : i32
          %mul3A_216 = arith.muli %add3A_198, %mul3A_215 : i32
          %add3A_217 = arith.addi %add3A, %mul3A_216 : i32
          %mul3A_218 = arith.constant 128 : i32
          %mul3A_219 = arith.muli %add3A_217, %mul3A_218 : i32
          %dma_wait3A_220 = arith.constant 0 : i32
          %dma_wait3A_221 = tpu.memref_slice %arg6[%select_n3A_214, %dma_wait3A_220] : memref<4x128xi32, #tpu.memory_space<vmem>> -> memref<1x128xi32, #tpu.memory_space<vmem>>
          %dma_wait3A_222 = tpu.memref_squeeze %dma_wait3A_221 : memref<1x128xi32, #tpu.memory_space<vmem>> -> memref<128xi32, #tpu.memory_space<vmem>>
          %dma_wait3A_223 = tpu.memref_slice %arg3[%mul3A_219] : memref<640000xi32, #tpu.memory_space<hbm>> -> memref<128xi32, #tpu.memory_space<hbm>>
          %dma_wait3A_224 = arith.constant 0 : i32
          %dma_wait3A_225 = tpu.memref_slice %arg6[%select_n3A_214, %dma_wait3A_224] : memref<4x128xi32, #tpu.memory_space<vmem>> -> memref<1x128xi32, #tpu.memory_space<vmem>>
          %dma_wait3A_226 = tpu.memref_squeeze %dma_wait3A_225 : memref<1x128xi32, #tpu.memory_space<vmem>> -> memref<128xi32, #tpu.memory_space<vmem>>
          %dma_wait3A_227 = tpu.memref_slice %arg3[%mul3A_219] : memref<640000xi32, #tpu.memory_space<hbm>> -> memref<128xi32, #tpu.memory_space<hbm>>
          tpu.wait_dma2 semaphore(%arg10 : memref<!tpu.dma_semaphore, #tpu.memory_space<semaphore_mem>>) src(%dma_wait3A_227 : memref<128xi32, #tpu.memory_space<hbm>>) dst(%dma_wait3A_226 : memref<128xi32, #tpu.memory_space<vmem>>)
          %mul3A_228 = arith.constant 32 : i32
          %mul3A_229 = arith.muli %add3A_198, %mul3A_228 : i32
          %add3A_230 = arith.addi %add3A, %mul3A_229 : i32
          %mul3A_231 = arith.constant 128 : i32
          %mul3A_232 = arith.muli %add3A_230, %mul3A_231 : i32
          %add3A_233 = arith.constant 320000 : i32
          %add3A_234 = arith.addi %add3A_233, %mul3A_232 : i32
          %dma_wait3A_235 = arith.constant 0 : i32
          %dma_wait3A_236 = tpu.memref_slice %arg7[%select_n3A_214, %dma_wait3A_235] : memref<4x128xi32, #tpu.memory_space<vmem>> -> memref<1x128xi32, #tpu.memory_space<vmem>>
          %dma_wait3A_237 = tpu.memref_squeeze %dma_wait3A_236 : memref<1x128xi32, #tpu.memory_space<vmem>> -> memref<128xi32, #tpu.memory_space<vmem>>
          %dma_wait3A_238 = tpu.memref_slice %arg3[%add3A_234] : memref<640000xi32, #tpu.memory_space<hbm>> -> memref<128xi32, #tpu.memory_space<hbm>>
          %dma_wait3A_239 = arith.constant 0 : i32
          %dma_wait3A_240 = tpu.memref_slice %arg7[%select_n3A_214, %dma_wait3A_239] : memref<4x128xi32, #tpu.memory_space<vmem>> -> memref<1x128xi32, #tpu.memory_space<vmem>>
          %dma_wait3A_241 = tpu.memref_squeeze %dma_wait3A_240 : memref<1x128xi32, #tpu.memory_space<vmem>> -> memref<128xi32, #tpu.memory_space<vmem>>
          %dma_wait3A_242 = tpu.memref_slice %arg3[%add3A_234] : memref<640000xi32, #tpu.memory_space<hbm>> -> memref<128xi32, #tpu.memory_space<hbm>>
          tpu.wait_dma2 semaphore(%arg10 : memref<!tpu.dma_semaphore, #tpu.memory_space<semaphore_mem>>) src(%dma_wait3A_242 : memref<128xi32, #tpu.memory_space<hbm>>) dst(%dma_wait3A_241 : memref<128xi32, #tpu.memory_space<vmem>>)
          %add3A_243 = arith.constant 2 : i32
          %add3A_244 = arith.addi %while3A_97, %add3A_243 : i32
          %jit3A_245 = arith.constant 4 : i32
          %eq3A_246 = arith.constant 0 : i32
          %eq3A_247 = arith.cmpi eq, %jit3A_245, %eq3A_246 : i32
          %jit3A_248 = arith.constant 1 : i32
          %select_n3A_249 = arith.select %eq3A_247, %jit3A_248, %jit3A_245 : i32
          %rem3A_250 = arith.remsi %add3A_244, %select_n3A_249 : i32
          %ne3A_251 = arith.constant 0 : i32
          %ne3A_252 = arith.cmpi ne, %rem3A_250, %ne3A_251 : i32
          %lt3A_253 = arith.constant 0 : i32
          %lt3A_254 = arith.cmpi slt, %rem3A_250, %lt3A_253 : i32
          %lt3A_255 = arith.constant 0 : i32
          %lt3A_256 = arith.cmpi slt, %select_n3A_249, %lt3A_255 : i32
          %ne3A_257 = arith.xori %lt3A_254, %lt3A_256 : i1
          %and3A_258 = arith.andi %ne3A_257, %ne3A_252 : i1
          %add3A_259 = arith.addi %rem3A_250, %select_n3A_249 : i32
          %select_n3A_260 = arith.select %and3A_258, %add3A_259, %rem3A_250 : i32
          %jit3A_261 = arith.constant 3 : i32
          %eq3A_262 = arith.constant 0 : i32
          %eq3A_263 = arith.cmpi eq, %jit3A_261, %eq3A_262 : i32
          %jit3A_264 = arith.constant 1 : i32
          %select_n3A_265 = arith.select %eq3A_263, %jit3A_264, %jit3A_261 : i32
          %rem3A_266 = arith.remsi %add3A_244, %select_n3A_265 : i32
          %ne3A_267 = arith.constant 0 : i32
          %ne3A_268 = arith.cmpi ne, %rem3A_266, %ne3A_267 : i32
          %lt3A_269 = arith.constant 0 : i32
          %lt3A_270 = arith.cmpi slt, %rem3A_266, %lt3A_269 : i32
          %lt3A_271 = arith.constant 0 : i32
          %lt3A_272 = arith.cmpi slt, %select_n3A_265, %lt3A_271 : i32
          %ne3A_273 = arith.xori %lt3A_270, %lt3A_272 : i1
          %and3A_274 = arith.andi %ne3A_273, %ne3A_268 : i1
          %add3A_275 = arith.addi %rem3A_266, %select_n3A_265 : i32
          %select_n3A_276 = arith.select %and3A_274, %add3A_275, %rem3A_266 : i32
          %dma_start3A_277 = arith.constant 0 : i32
          %dma_start3A_278 = arith.constant 0 : i32
          %dma_start3A_279 = tpu.memref_slice %arg8[%select_n3A_276, %dma_start3A_277, %dma_start3A_278] : memref<3x128x128xf32, #tpu.memory_space<vmem>> -> memref<1x128x128xf32, #tpu.memory_space<vmem>>
          %dma_start3A_280 = tpu.memref_squeeze %dma_start3A_279 : memref<1x128x128xf32, #tpu.memory_space<vmem>> -> memref<128x128xf32, #tpu.memory_space<vmem>>
          %dma_start3A_281 = arith.constant 0 : i32
          %dma_start3A_282 = tpu.memref_slice %arg6[%select_n3A_260, %dma_start3A_281] : memref<4x128xi32, #tpu.memory_space<vmem>> -> memref<1x128xi32, #tpu.memory_space<vmem>>
          %dma_start3A_283 = tpu.memref_squeeze %dma_start3A_282 : memref<1x128xi32, #tpu.memory_space<vmem>> -> memref<128xi32, #tpu.memory_space<vmem>>
          %dma_start3A_284 = arith.constant 0 : i32
          %dma_start3A_285 = arith.constant 0 : i32
          %dma_start3A_286 = tpu.memref_slice %arg2[%dma_start3A_284, %dma_start3A_285] : memref<10000x128xf32, #tpu.memory_space<hbm>> -> memref<10000x128xf32, #tpu.memory_space<hbm>>
          tpu.enqueue_indirect_dma source(%dma_start3A_286 : memref<10000x128xf32, #tpu.memory_space<hbm>>) target(%dma_start3A_280 : memref<128x128xf32, #tpu.memory_space<vmem>>) offsets(%dma_start3A_283 : memref<128xi32, #tpu.memory_space<vmem>>) semaphore(%arg11 : memref<!tpu.dma_semaphore, #tpu.memory_space<semaphore_mem>>)
        } else {
        }
        %jit3A_108 = arith.constant 4 : i32
        %eq3A_109 = arith.constant 0 : i32
        %eq3A_110 = arith.cmpi eq, %jit3A_108, %eq3A_109 : i32
        %jit3A_111 = arith.constant 1 : i32
        %select_n3A_112 = arith.select %eq3A_110, %jit3A_111, %jit3A_108 : i32
        %rem3A_113 = arith.remsi %while3A_97, %select_n3A_112 : i32
        %ne3A_114 = arith.constant 0 : i32
        %ne3A_115 = arith.cmpi ne, %rem3A_113, %ne3A_114 : i32
        %lt3A_116 = arith.constant 0 : i32
        %lt3A_117 = arith.cmpi slt, %rem3A_113, %lt3A_116 : i32
        %lt3A_118 = arith.constant 0 : i32
        %lt3A_119 = arith.cmpi slt, %select_n3A_112, %lt3A_118 : i32
        %ne3A_120 = arith.xori %lt3A_117, %lt3A_119 : i1
        %and3A_121 = arith.andi %ne3A_120, %ne3A_115 : i1
        %add3A_122 = arith.addi %rem3A_113, %select_n3A_112 : i32
        %select_n3A_123 = arith.select %and3A_121, %add3A_122, %rem3A_113 : i32
        %jit3A_124 = arith.constant 3 : i32
        %eq3A_125 = arith.constant 0 : i32
        %eq3A_126 = arith.cmpi eq, %jit3A_124, %eq3A_125 : i32
        %jit3A_127 = arith.constant 1 : i32
        %select_n3A_128 = arith.select %eq3A_126, %jit3A_127, %jit3A_124 : i32
        %rem3A_129 = arith.remsi %while3A_97, %select_n3A_128 : i32
        %ne3A_130 = arith.constant 0 : i32
        %ne3A_131 = arith.cmpi ne, %rem3A_129, %ne3A_130 : i32
        %lt3A_132 = arith.constant 0 : i32
        %lt3A_133 = arith.cmpi slt, %rem3A_129, %lt3A_132 : i32
        %lt3A_134 = arith.constant 0 : i32
        %lt3A_135 = arith.cmpi slt, %select_n3A_128, %lt3A_134 : i32
        %ne3A_136 = arith.xori %lt3A_133, %lt3A_135 : i1
        %and3A_137 = arith.andi %ne3A_136, %ne3A_131 : i1
        %add3A_138 = arith.addi %rem3A_129, %select_n3A_128 : i32
        %select_n3A_139 = arith.select %and3A_137, %add3A_138, %rem3A_129 : i32
        %dma_wait3A_140 = arith.constant 0 : i32
        %dma_wait3A_141 = arith.constant 0 : i32
        %dma_wait3A_142 = tpu.memref_slice %arg8[%select_n3A_139, %dma_wait3A_140, %dma_wait3A_141] : memref<3x128x128xf32, #tpu.memory_space<vmem>> -> memref<1x128x128xf32, #tpu.memory_space<vmem>>
        %dma_wait3A_143 = tpu.memref_squeeze %dma_wait3A_142 : memref<1x128x128xf32, #tpu.memory_space<vmem>> -> memref<128x128xf32, #tpu.memory_space<vmem>>
        %dma_wait3A_144 = arith.constant 0 : i32
        %dma_wait3A_145 = tpu.memref_slice %arg6[%select_n3A_123, %dma_wait3A_144] : memref<4x128xi32, #tpu.memory_space<vmem>> -> memref<1x128xi32, #tpu.memory_space<vmem>>
        %dma_wait3A_146 = tpu.memref_squeeze %dma_wait3A_145 : memref<1x128xi32, #tpu.memory_space<vmem>> -> memref<128xi32, #tpu.memory_space<vmem>>
        %dma_wait3A_147 = arith.constant 0 : i32
        %dma_wait3A_148 = arith.constant 0 : i32
        %dma_wait3A_149 = tpu.memref_slice %arg2[%dma_wait3A_147, %dma_wait3A_148] : memref<10000x128xf32, #tpu.memory_space<hbm>> -> memref<10000x128xf32, #tpu.memory_space<hbm>>
        tpu.wait_indirect_dma semaphore(%arg11 : memref<!tpu.dma_semaphore, #tpu.memory_space<semaphore_mem>>) src(%dma_wait3A_149 : memref<10000x128xf32, #tpu.memory_space<hbm>>) dst(%dma_wait3A_143 : memref<128x128xf32, #tpu.memory_space<vmem>>)
        %jit3A_150 = arith.constant 3 : i32
        %eq3A_151 = arith.constant 0 : i32
        %eq3A_152 = arith.cmpi eq, %jit3A_150, %eq3A_151 : i32
        %jit3A_153 = arith.constant 1 : i32
        %select_n3A_154 = arith.select %eq3A_152, %jit3A_153, %jit3A_150 : i32
        %rem3A_155 = arith.remsi %while3A_97, %select_n3A_154 : i32
        %ne3A_156 = arith.constant 0 : i32
        %ne3A_157 = arith.cmpi ne, %rem3A_155, %ne3A_156 : i32
        %lt3A_158 = arith.constant 0 : i32
        %lt3A_159 = arith.cmpi slt, %rem3A_155, %lt3A_158 : i32
        %lt3A_160 = arith.constant 0 : i32
        %lt3A_161 = arith.cmpi slt, %select_n3A_154, %lt3A_160 : i32
        %ne3A_162 = arith.xori %lt3A_159, %lt3A_161 : i1
        %and3A_163 = arith.andi %ne3A_162, %ne3A_157 : i1
        %add3A_164 = arith.addi %rem3A_155, %select_n3A_154 : i32
        %select_n3A_165 = arith.select %and3A_163, %add3A_164, %rem3A_155 : i32
        %jit3A_166 = arith.constant 4 : i32
        %eq3A_167 = arith.constant 0 : i32
        %eq3A_168 = arith.cmpi eq, %jit3A_166, %eq3A_167 : i32
        %jit3A_169 = arith.constant 1 : i32
        %select_n3A_170 = arith.select %eq3A_168, %jit3A_169, %jit3A_166 : i32
        %rem3A_171 = arith.remsi %while3A_97, %select_n3A_170 : i32
        %ne3A_172 = arith.constant 0 : i32
        %ne3A_173 = arith.cmpi ne, %rem3A_171, %ne3A_172 : i32
        %lt3A_174 = arith.constant 0 : i32
        %lt3A_175 = arith.cmpi slt, %rem3A_171, %lt3A_174 : i32
        %lt3A_176 = arith.constant 0 : i32
        %lt3A_177 = arith.cmpi slt, %select_n3A_170, %lt3A_176 : i32
        %ne3A_178 = arith.xori %lt3A_175, %lt3A_177 : i1
        %and3A_179 = arith.andi %ne3A_178, %ne3A_173 : i1
        %add3A_180 = arith.addi %rem3A_171, %select_n3A_170 : i32
        %select_n3A_181 = arith.select %and3A_179, %add3A_180, %rem3A_171 : i32
        %dma_start3A = arith.constant 0 : i32
        %dma_start3A_182 = arith.constant 0 : i32
        %dma_start3A_183 = tpu.memref_slice %arg8[%select_n3A_165, %dma_start3A, %dma_start3A_182] : memref<3x128x128xf32, #tpu.memory_space<vmem>> -> memref<1x128x128xf32, #tpu.memory_space<vmem>>
        %dma_start3A_184 = tpu.memref_squeeze %dma_start3A_183 : memref<1x128x128xf32, #tpu.memory_space<vmem>> -> memref<128x128xf32, #tpu.memory_space<vmem>>
        %dma_start3A_185 = arith.constant 0 : i32
        %dma_start3A_186 = tpu.memref_slice %arg7[%select_n3A_181, %dma_start3A_185] : memref<4x128xi32, #tpu.memory_space<vmem>> -> memref<1x128xi32, #tpu.memory_space<vmem>>
        %dma_start3A_187 = tpu.memref_squeeze %dma_start3A_186 : memref<1x128xi32, #tpu.memory_space<vmem>> -> memref<128xi32, #tpu.memory_space<vmem>>
        %dma_start3A_188 = arith.constant 0 : i32
        %dma_start3A_189 = arith.constant 0 : i32
        %dma_start3A_190 = tpu.memref_slice %arg9[%dma_start3A_188, %dma_start3A_189] : memref<10000x128xf32, #tpu.memory_space<vmem_shared>> -> memref<10000x128xf32, #tpu.memory_space<vmem_shared>>
        tpu.enqueue_indirect_dma source(%dma_start3A_184 : memref<128x128xf32, #tpu.memory_space<vmem>>) target(%dma_start3A_190 : memref<10000x128xf32, #tpu.memory_space<vmem_shared>>) offsets(%dma_start3A_187 : memref<128xi32, #tpu.memory_space<vmem>>) semaphore(%arg12 : memref<!tpu.dma_semaphore, #tpu.memory_space<semaphore_mem>>) {add = true}
        %add3A_191 = arith.constant 3 : i32
        %add3A_192 = arith.addi %while3A_97, %add3A_191 : i32
        %lt3A_193 = arith.cmpi slt, %add3A_192, %select_n3A : i32
        %convert_element_type3A_194 = arith.extui %lt3A_193 : i1 to i32
        %cond3A_195 = arith.constant 0 : i32
        %cond3A_196 = arith.cmpi ne, %convert_element_type3A_194, %cond3A_195 : i32
        scf.if %cond3A_196 {
          %add3A_197 = arith.constant 3 : i32
          %add3A_198 = arith.addi %while3A_97, %add3A_197 : i32
          %jit3A_199 = arith.constant 4 : i32
          %eq3A_200 = arith.constant 0 : i32
          %eq3A_201 = arith.cmpi eq, %jit3A_199, %eq3A_200 : i32
          %jit3A_202 = arith.constant 1 : i32
          %select_n3A_203 = arith.select %eq3A_201, %jit3A_202, %jit3A_199 : i32
          %rem3A_204 = arith.remsi %add3A_198, %select_n3A_203 : i32
          %ne3A_205 = arith.constant 0 : i32
          %ne3A_206 = arith.cmpi ne, %rem3A_204, %ne3A_205 : i32
          %lt3A_207 = arith.constant 0 : i32
          %lt3A_208 = arith.cmpi slt, %rem3A_204, %lt3A_207 : i32
          %lt3A_209 = arith.constant 0 : i32
          %lt3A_210 = arith.cmpi slt, %select_n3A_203, %lt3A_209 : i32
          %ne3A_211 = arith.xori %lt3A_208, %lt3A_210 : i1
          %and3A_212 = arith.andi %ne3A_211, %ne3A_206 : i1
          %add3A_213 = arith.addi %rem3A_204, %select_n3A_203 : i32
          %select_n3A_214 = arith.select %and3A_212, %add3A_213, %rem3A_204 : i32
          %mul3A_215 = arith.constant 32 : i32
          %mul3A_216 = arith.muli %add3A_198, %mul3A_215 : i32
          %add3A_217 = arith.addi %add3A, %mul3A_216 : i32
          %mul3A_218 = arith.constant 128 : i32
          %mul3A_219 = arith.muli %add3A_217, %mul3A_218 : i32
          %dma_start3A_220 = arith.constant 0 : i32
          %dma_start3A_221 = tpu.memref_slice %arg6[%select_n3A_214, %dma_start3A_220] : memref<4x128xi32, #tpu.memory_space<vmem>> -> memref<1x128xi32, #tpu.memory_space<vmem>>
          %dma_start3A_222 = tpu.memref_squeeze %dma_start3A_221 : memref<1x128xi32, #tpu.memory_space<vmem>> -> memref<128xi32, #tpu.memory_space<vmem>>
          %dma_start3A_223 = tpu.memref_slice %arg3[%mul3A_219] : memref<640000xi32, #tpu.memory_space<hbm>> -> memref<128xi32, #tpu.memory_space<hbm>>
          %dma_start3A_224 = arith.constant 0 : i32
          %dma_start3A_225 = tpu.memref_slice %arg6[%select_n3A_214, %dma_start3A_224] : memref<4x128xi32, #tpu.memory_space<vmem>> -> memref<1x128xi32, #tpu.memory_space<vmem>>
          %dma_start3A_226 = tpu.memref_squeeze %dma_start3A_225 : memref<1x128xi32, #tpu.memory_space<vmem>> -> memref<128xi32, #tpu.memory_space<vmem>>
          %dma_start3A_227 = tpu.memref_slice %arg3[%mul3A_219] : memref<640000xi32, #tpu.memory_space<hbm>> -> memref<128xi32, #tpu.memory_space<hbm>>
          tpu.enqueue_dma source(%dma_start3A_227 : memref<128xi32, #tpu.memory_space<hbm>>) target(%dma_start3A_226 : memref<128xi32, #tpu.memory_space<vmem>>) target_semaphore(%arg10 : memref<!tpu.dma_semaphore, #tpu.memory_space<semaphore_mem>>)
          %mul3A_228 = arith.constant 32 : i32
          %mul3A_229 = arith.muli %add3A_198, %mul3A_228 : i32
          %add3A_230 = arith.addi %add3A, %mul3A_229 : i32
          %mul3A_231 = arith.constant 128 : i32
          %mul3A_232 = arith.muli %add3A_230, %mul3A_231 : i32
          %add3A_233 = arith.constant 320000 : i32
          %add3A_234 = arith.addi %add3A_233, %mul3A_232 : i32
          %dma_start3A_235 = arith.constant 0 : i32
          %dma_start3A_236 = tpu.memref_slice %arg7[%select_n3A_214, %dma_start3A_235] : memref<4x128xi32, #tpu.memory_space<vmem>> -> memref<1x128xi32, #tpu.memory_space<vmem>>
          %dma_start3A_237 = tpu.memref_squeeze %dma_start3A_236 : memref<1x128xi32, #tpu.memory_space<vmem>> -> memref<128xi32, #tpu.memory_space<vmem>>
          %dma_start3A_238 = tpu.memref_slice %arg3[%add3A_234] : memref<640000xi32, #tpu.memory_space<hbm>> -> memref<128xi32, #tpu.memory_space<hbm>>
          %dma_start3A_239 = arith.constant 0 : i32
          %dma_start3A_240 = tpu.memref_slice %arg7[%select_n3A_214, %dma_start3A_239] : memref<4x128xi32, #tpu.memory_space<vmem>> -> memref<1x128xi32, #tpu.memory_space<vmem>>
          %dma_start3A_241 = tpu.memref_squeeze %dma_start3A_240 : memref<1x128xi32, #tpu.memory_space<vmem>> -> memref<128xi32, #tpu.memory_space<vmem>>
          %dma_start3A_242 = tpu.memref_slice %arg3[%add3A_234] : memref<640000xi32, #tpu.memory_space<hbm>> -> memref<128xi32, #tpu.memory_space<hbm>>
          tpu.enqueue_dma source(%dma_start3A_242 : memref<128xi32, #tpu.memory_space<hbm>>) target(%dma_start3A_241 : memref<128xi32, #tpu.memory_space<vmem>>) target_semaphore(%arg10 : memref<!tpu.dma_semaphore, #tpu.memory_space<semaphore_mem>>)
        } else {
        }
      }
      %sub3A_55 = arith.constant 1 : i32
      %sub3A_56 = arith.subi %select_n3A, %sub3A_55 : i32
      %jit3A_57 = arith.constant 3 : i32
      %eq3A_58 = arith.constant 0 : i32
      %eq3A_59 = arith.cmpi eq, %jit3A_57, %eq3A_58 : i32
      %jit3A_60 = arith.constant 1 : i32
      %select_n3A_61 = arith.select %eq3A_59, %jit3A_60, %jit3A_57 : i32
      %rem3A_62 = arith.remsi %sub3A_56, %select_n3A_61 : i32
      %ne3A_63 = arith.constant 0 : i32
      %ne3A_64 = arith.cmpi ne, %rem3A_62, %ne3A_63 : i32
      %lt3A = arith.constant 0 : i32
      %lt3A_65 = arith.cmpi slt, %rem3A_62, %lt3A : i32
      %lt3A_66 = arith.constant 0 : i32
      %lt3A_67 = arith.cmpi slt, %select_n3A_61, %lt3A_66 : i32
      %ne3A_68 = arith.xori %lt3A_65, %lt3A_67 : i1
      %and3A_69 = arith.andi %ne3A_68, %ne3A_64 : i1
      %add3A_70 = arith.addi %rem3A_62, %select_n3A_61 : i32
      %select_n3A_71 = arith.select %and3A_69, %add3A_70, %rem3A_62 : i32
      %jit3A_72 = arith.constant 4 : i32
      %eq3A_73 = arith.constant 0 : i32
      %eq3A_74 = arith.cmpi eq, %jit3A_72, %eq3A_73 : i32
      %jit3A_75 = arith.constant 1 : i32
      %select_n3A_76 = arith.select %eq3A_74, %jit3A_75, %jit3A_72 : i32
      %rem3A_77 = arith.remsi %sub3A_56, %select_n3A_76 : i32
      %ne3A_78 = arith.constant 0 : i32
      %ne3A_79 = arith.cmpi ne, %rem3A_77, %ne3A_78 : i32
      %lt3A_80 = arith.constant 0 : i32
      %lt3A_81 = arith.cmpi slt, %rem3A_77, %lt3A_80 : i32
      %lt3A_82 = arith.constant 0 : i32
      %lt3A_83 = arith.cmpi slt, %select_n3A_76, %lt3A_82 : i32
      %ne3A_84 = arith.xori %lt3A_81, %lt3A_83 : i1
      %and3A_85 = arith.andi %ne3A_84, %ne3A_79 : i1
      %add3A_86 = arith.addi %rem3A_77, %select_n3A_76 : i32
      %select_n3A_87 = arith.select %and3A_85, %add3A_86, %rem3A_77 : i32
      %dma_wait3A = arith.constant 0 : i32
      %dma_wait3A_88 = arith.constant 0 : i32
      %dma_wait3A_89 = tpu.memref_slice %arg8[%select_n3A_71, %dma_wait3A, %dma_wait3A_88] : memref<3x128x128xf32, #tpu.memory_space<vmem>> -> memref<1x128x128xf32, #tpu.memory_space<vmem>>
      %dma_wait3A_90 = tpu.memref_squeeze %dma_wait3A_89 : memref<1x128x128xf32, #tpu.memory_space<vmem>> -> memref<128x128xf32, #tpu.memory_space<vmem>>
      %dma_wait3A_91 = arith.constant 0 : i32
      %dma_wait3A_92 = tpu.memref_slice %arg7[%select_n3A_87, %dma_wait3A_91] : memref<4x128xi32, #tpu.memory_space<vmem>> -> memref<1x128xi32, #tpu.memory_space<vmem>>
      %dma_wait3A_93 = tpu.memref_squeeze %dma_wait3A_92 : memref<1x128xi32, #tpu.memory_space<vmem>> -> memref<128xi32, #tpu.memory_space<vmem>>
      %dma_wait3A_94 = arith.constant 0 : i32
      %dma_wait3A_95 = arith.constant 0 : i32
      %dma_wait3A_96 = tpu.memref_slice %arg9[%dma_wait3A_94, %dma_wait3A_95] : memref<10000x128xf32, #tpu.memory_space<vmem_shared>> -> memref<10000x128xf32, #tpu.memory_space<vmem_shared>>
      tpu.wait_indirect_dma semaphore(%arg12 : memref<!tpu.dma_semaphore, #tpu.memory_space<semaphore_mem>>) src(%dma_wait3A_90 : memref<128x128xf32, #tpu.memory_space<vmem>>) dst(%dma_wait3A_96 : memref<10000x128xf32, #tpu.memory_space<vmem_shared>>)
    } else {
    }
    %barrier3A_36 = arith.constant 0 : index
    tpu.barrier barrier_id(%barrier3A_36)
    %mul3A_37 = arith.constant 624 : i32
    %mul3A_38 = arith.muli %arg1, %mul3A_37 : i32
    %mul3A_39 = arith.constant 624 : i32
    %mul3A_40 = arith.muli %arg1, %mul3A_39 : i32
    "tpu.region"() ({
      %run_scoped3A = tpu.sem_alloc : memref<!tpu.dma_semaphore, #tpu.memory_space<semaphore_mem>>
      %dma_start3A = arith.constant 0 : i32
      %dma_start3A_46 = arith.constant 0 : i32
      %dma_start3A_47 = tpu.memref_slice %arg5[%arg0, %dma_start3A, %dma_start3A_46] : memref<2x10000x128xf32, #tpu.memory_space<hbm>> -> memref<1x10000x128xf32, #tpu.memory_space<hbm>>
      %dma_start3A_48 = tpu.memref_squeeze %dma_start3A_47 : memref<1x10000x128xf32, #tpu.memory_space<hbm>> -> memref<10000x128xf32, #tpu.memory_space<hbm>>
      %dma_start3A_49 = arith.constant 0 : i32
      %dma_start3A_50 = tpu.memref_slice %dma_start3A_48[%mul3A_40, %dma_start3A_49] : memref<10000x128xf32, #tpu.memory_space<hbm>> -> memref<624x128xf32, #tpu.memory_space<hbm>>
      %dma_start3A_51 = arith.constant 0 : i32
      %dma_start3A_52 = tpu.memref_slice %arg9[%mul3A_38, %dma_start3A_51] : memref<10000x128xf32, #tpu.memory_space<vmem_shared>> -> memref<624x128xf32, #tpu.memory_space<vmem_shared>>
      tpu.enqueue_dma source(%dma_start3A_52 : memref<624x128xf32, #tpu.memory_space<vmem_shared>>) target(%dma_start3A_50 : memref<624x128xf32, #tpu.memory_space<hbm>>) target_semaphore(%run_scoped3A : memref<!tpu.dma_semaphore, #tpu.memory_space<semaphore_mem>>)
      %dma_wait3A = arith.constant 0 : i32
      %dma_wait3A_53 = arith.constant 0 : i32
      %dma_wait3A_54 = tpu.memref_slice %arg5[%arg0, %dma_wait3A, %dma_wait3A_53] : memref<2x10000x128xf32, #tpu.memory_space<hbm>> -> memref<1x10000x128xf32, #tpu.memory_space<hbm>>
      %dma_wait3A_55 = tpu.memref_squeeze %dma_wait3A_54 : memref<1x10000x128xf32, #tpu.memory_space<hbm>> -> memref<10000x128xf32, #tpu.memory_space<hbm>>
      %dma_wait3A_56 = arith.constant 0 : i32
      %dma_wait3A_57 = tpu.memref_slice %dma_wait3A_55[%mul3A_40, %dma_wait3A_56] : memref<10000x128xf32, #tpu.memory_space<hbm>> -> memref<624x128xf32, #tpu.memory_space<hbm>>
      %dma_wait3A_58 = arith.constant 0 : i32
      %dma_wait3A_59 = tpu.memref_slice %arg9[%mul3A_38, %dma_wait3A_58] : memref<10000x128xf32, #tpu.memory_space<vmem_shared>> -> memref<624x128xf32, #tpu.memory_space<vmem_shared>>
      tpu.wait_dma2 semaphore(%run_scoped3A : memref<!tpu.dma_semaphore, #tpu.memory_space<semaphore_mem>>) src(%dma_wait3A_59 : memref<624x128xf32, #tpu.memory_space<vmem_shared>>) dst(%dma_wait3A_57 : memref<624x128xf32, #tpu.memory_space<hbm>>)
      tpu.yield
    }) : () -> ()
    %eq3A_41 = arith.constant 15 : i32
    %eq3A_42 = arith.cmpi eq, %arg1, %eq3A_41 : i32
    %convert_element_type3A_43 = arith.extui %eq3A_42 : i1 to i32
    %cond3A_44 = arith.constant 0 : i32
    %cond3A_45 = arith.cmpi ne, %convert_element_type3A_43, %cond3A_44 : i32
    scf.if %cond3A_45 {
      "tpu.region"() ({
        %run_scoped3A = tpu.sem_alloc : memref<!tpu.dma_semaphore, #tpu.memory_space<semaphore_mem>>
        %dma_start3A = arith.constant 0 : i32
        %dma_start3A_46 = arith.constant 0 : i32
        %dma_start3A_47 = tpu.memref_slice %arg5[%arg0, %dma_start3A, %dma_start3A_46] : memref<2x10000x128xf32, #tpu.memory_space<hbm>> -> memref<1x10000x128xf32, #tpu.memory_space<hbm>>
        %dma_start3A_48 = tpu.memref_squeeze %dma_start3A_47 : memref<1x10000x128xf32, #tpu.memory_space<hbm>> -> memref<10000x128xf32, #tpu.memory_space<hbm>>
        %dma_start3A_49 = arith.constant 9984 : i32
        %dma_start3A_50 = arith.constant 0 : i32
        %dma_start3A_51 = tpu.memref_slice %dma_start3A_48[%dma_start3A_49, %dma_start3A_50] : memref<10000x128xf32, #tpu.memory_space<hbm>> -> memref<16x128xf32, #tpu.memory_space<hbm>>
        %dma_start3A_52 = arith.constant 9984 : i32
        %dma_start3A_53 = arith.constant 0 : i32
        %dma_start3A_54 = tpu.memref_slice %arg9[%dma_start3A_52, %dma_start3A_53] : memref<10000x128xf32, #tpu.memory_space<vmem_shared>> -> memref<16x128xf32, #tpu.memory_space<vmem_shared>>
        tpu.enqueue_dma source(%dma_start3A_54 : memref<16x128xf32, #tpu.memory_space<vmem_shared>>) target(%dma_start3A_51 : memref<16x128xf32, #tpu.memory_space<hbm>>) target_semaphore(%run_scoped3A : memref<!tpu.dma_semaphore, #tpu.memory_space<semaphore_mem>>)
        %dma_wait3A = arith.constant 0 : i32
        %dma_wait3A_55 = arith.constant 0 : i32
        %dma_wait3A_56 = tpu.memref_slice %arg5[%arg0, %dma_wait3A, %dma_wait3A_55] : memref<2x10000x128xf32, #tpu.memory_space<hbm>> -> memref<1x10000x128xf32, #tpu.memory_space<hbm>>
        %dma_wait3A_57 = tpu.memref_squeeze %dma_wait3A_56 : memref<1x10000x128xf32, #tpu.memory_space<hbm>> -> memref<10000x128xf32, #tpu.memory_space<hbm>>
        %dma_wait3A_58 = arith.constant 9984 : i32
        %dma_wait3A_59 = arith.constant 0 : i32
        %dma_wait3A_60 = tpu.memref_slice %dma_wait3A_57[%dma_wait3A_58, %dma_wait3A_59] : memref<10000x128xf32, #tpu.memory_space<hbm>> -> memref<16x128xf32, #tpu.memory_space<hbm>>
        %dma_wait3A_61 = arith.constant 9984 : i32
        %dma_wait3A_62 = arith.constant 0 : i32
        %dma_wait3A_63 = tpu.memref_slice %arg9[%dma_wait3A_61, %dma_wait3A_62] : memref<10000x128xf32, #tpu.memory_space<vmem_shared>> -> memref<16x128xf32, #tpu.memory_space<vmem_shared>>
        tpu.wait_dma2 semaphore(%run_scoped3A : memref<!tpu.dma_semaphore, #tpu.memory_space<semaphore_mem>>) src(%dma_wait3A_63 : memref<16x128xf32, #tpu.memory_space<vmem_shared>>) dst(%dma_wait3A_60 : memref<16x128xf32, #tpu.memory_space<hbm>>)
        tpu.yield
      }) : () -> ()
    } else {
    }
    return
  }
}

module attributes {stable_mosaic.version = 14 : i64} {
  func.func @_tc_body(%arg0: i32, %arg1: memref<5000x128xf32, #tpu.memory_space<vmem>>, %arg2: memref<2x5000x128xf32, #tpu.memory_space<vmem>>, %arg3: memref<128x128xf32, #tpu.memory_space<vmem>>, %arg4: memref<128x128xf32, #tpu.memory_space<vmem>>, %arg5: memref<5000x128xf32, #tpu.memory_space<vmem>>) attributes {dimension_semantics = [#tpu.dimension_semantics<arbitrary>], iteration_bounds = array<i64: 2>, scalar_prefetch = 0 : i64, scratch_operands = 0 : i64, tpu.core_type = #tpu.core_type<tc>, window_params = [{transform_indices = @transform_0, window_bounds = array<i64: 5000, 128>}, {transform_indices = @transform_1, window_bounds = array<i64: 2, 5000, 128>}, {pipeline_mode = #tpu.pipeline_mode<synchronous>, transform_indices = @transform_2, window_bounds = array<i64: 128, 128>}, {pipeline_mode = #tpu.pipeline_mode<synchronous>, transform_indices = @transform_3, window_bounds = array<i64: 128, 128>}, {transform_indices = @transform_4, window_bounds = array<i64: 5000, 128>}]} {
    %get3A = arith.constant 0 : index
    %get3A_0 = arith.constant 0 : index
    %get3A_1 = vector.load %arg1[%get3A, %get3A_0] : memref<5000x128xf32, #tpu.memory_space<vmem>>, vector<5000x128xf32>
    %get3A_2 = arith.constant 0 : index
    %get3A_3 = arith.constant 0 : index
    %get3A_4 = vector.load %arg3[%get3A_2, %get3A_3] : memref<128x128xf32, #tpu.memory_space<vmem>>, vector<128x128xf32>
    %dot_general3A = arith.constant dense<0.000000e+00> : vector<5000x128xf32>
    %dot_general3A_5 = tpu.matmul %get3A_1, %get3A_4, %dot_general3A {dimension_numbers = #tpu.dot_dimension_numbers<[1], [0], [0], [1], [0, 0, 1, 1], [], []>, transpose_lhs_hint = false} : vector<5000x128xf32>, vector<128x128xf32>, vector<5000x128xf32> -> vector<5000x128xf32>
    %get3A_6 = arith.constant 0 : index
    %get3A_7 = arith.constant 0 : index
    %get3A_8 = arith.constant 0 : index
    %get3A_9 = vector.load %arg2[%get3A_6, %get3A_7, %get3A_8] : memref<2x5000x128xf32, #tpu.memory_space<vmem>>, vector<1x5000x128xf32>
    %get3A_10 = vector.shape_cast %get3A_9 : vector<1x5000x128xf32> to vector<5000x128xf32>
    %get3A_11 = arith.constant 1 : index
    %get3A_12 = arith.constant 0 : index
    %get3A_13 = arith.constant 0 : index
    %get3A_14 = vector.load %arg2[%get3A_11, %get3A_12, %get3A_13] : memref<2x5000x128xf32, #tpu.memory_space<vmem>>, vector<1x5000x128xf32>
    %get3A_15 = vector.shape_cast %get3A_14 : vector<1x5000x128xf32> to vector<5000x128xf32>
    %add3A = arith.addf %get3A_10, %get3A_15 : vector<5000x128xf32>
    %get3A_16 = arith.constant 0 : index
    %get3A_17 = arith.constant 0 : index
    %get3A_18 = vector.load %arg4[%get3A_16, %get3A_17] : memref<128x128xf32, #tpu.memory_space<vmem>>, vector<128x128xf32>
    %dot_general3A_19 = arith.constant dense<0.000000e+00> : vector<5000x128xf32>
    %dot_general3A_20 = tpu.matmul %add3A, %get3A_18, %dot_general3A_19 {dimension_numbers = #tpu.dot_dimension_numbers<[1], [0], [0], [1], [0, 0, 1, 1], [], []>, transpose_lhs_hint = false} : vector<5000x128xf32>, vector<128x128xf32>, vector<5000x128xf32> -> vector<5000x128xf32>
    %add3A_21 = arith.addf %dot_general3A_5, %dot_general3A_20 : vector<5000x128xf32>
    %max3A = arith.constant 0.000000e+00 : f32
    %max3A_22 = vector.broadcast %max3A : f32 to vector<5000x128xf32>
    %max3A_23 = arith.maximumf %add3A_21, %max3A_22 : vector<5000x128xf32>
    %swap3A = arith.constant 0 : index
    %swap3A_24 = arith.constant 0 : index
    %swap3A_25 = vector.load %arg5[%swap3A, %swap3A_24] : memref<5000x128xf32, #tpu.memory_space<vmem>>, vector<5000x128xf32>
    tpu.vector_store %arg5[%swap3A, %swap3A_24], %max3A_23 {strides = array<i32>} : memref<5000x128xf32, #tpu.memory_space<vmem>>, vector<5000x128xf32>,
    return
  }
  func.func @transform_0(%arg0: i32) -> (i32, i32) {
    %c0_i32 = arith.constant 0 : i32
    %c0_i32_0 = arith.constant 0 : i32
    return %arg0, %c0_i32 : i32, i32
  }
  func.func @transform_1(%arg0: i32) -> (i32, i32, i32) {
    %c0_i32 = arith.constant 0 : i32
    %c0_i32_0 = arith.constant 0 : i32
    %c0_i32_1 = arith.constant 0 : i32
    return %c0_i32, %arg0, %c0_i32_0 : i32, i32, i32
  }
  func.func @transform_2(%arg0: i32) -> (i32, i32) {
    %c0_i32 = arith.constant 0 : i32
    %c0_i32_0 = arith.constant 0 : i32
    %c0_i32_1 = arith.constant 0 : i32
    return %c0_i32, %c0_i32_0 : i32, i32
  }
  func.func @transform_3(%arg0: i32) -> (i32, i32) {
    %c0_i32 = arith.constant 0 : i32
    %c0_i32_0 = arith.constant 0 : i32
    %c0_i32_1 = arith.constant 0 : i32
    return %c0_i32, %c0_i32_0 : i32, i32
  }
  func.func @transform_4(%arg0: i32) -> (i32, i32) {
    %c0_i32 = arith.constant 0 : i32
    %c0_i32_0 = arith.constant 0 : i32
    return %arg0, %c0_i32 : i32, i32
  }
}

</mosaic_0001>

<sc_bundles>
// kernel: kernel.4.cloned.1.call-start
scs
__scs_entry_jumppad:
0x0: {  	(pc) =	sbr.rel $0x88, $3  }
0x1: {  	(tag) =	ssettag $0x0;
	lr =	simm.s32 $0x1  }
0x2: {  	[smem:$0x3F9D] =	sst lr;
	_ =	strace $0xD0000000  }
0x3: {  	_ = 	snop  }
0x4: {  	_ = 	snop  }
0x5: {  	_ = 	snop  }
0x6: {  	_ = 	snop  }
0x7: {  	_ = 	snop  }
__scs_overlays_trampoline_lowered:
0x8: {  	[smem:$0x3FAC] =	sst s0  }
0x9: {  	[smem:$0x3FAD] =	sst s1  }
0xa: {  	[smem:$0x3FAE] =	sst s2  }
0xb: {  	[smem:$0x3FAF] =	sst s3  }
0xc: {  	[smem:$0x3FB0] =	sst s4  }
0xd: {  	[smem:$0x3FB1] =	sst s5  }
0xe: {  	[smem:$0x3FB2] =	sst s6  }
0xf: {  	[smem:$0x3FB3] =	sst s7  }
0x10: {  	[smem:$0x3FB4] =	sst s8  }
0x11: {  	[smem:$0x3FB5] =	sst s9;
	s0 =	simm.s32 @!p0 $0x0  }
0x12: {  	s1 =	sld [smem:$0x3F9B];
	s0 =	simm.s32 @p0 $0x1  }
0x13: {  	[smem:$0x3FB6] =	sst s0;
	s0 =	simm.s32 @!p1 $0x0  }
0x14: {  	s2 =	sld [smem:$0x3F9A];
	s0 =	simm.s32 @p1 $0x1  }
0x15: {  	[smem:$0x3FB7] =	sst s0;
	s0 =	simm.s32 @!p2 $0x0  }
0x16: {  	s3 =	sld [smem:$0x3FDB];
	s0 =	simm.s32 @p2 $0x1  }
0x17: {  	s4 =	simm.s32 $0x1BF5;
	[smem:$0x3FB9] =	sst s0  }
0x18: {  	s0 =	sld [smem:$0x3F9C];
	_ =	swait.ge [sflag:s4], $0x0  }
0x19: {  	s7 =	sld [smem:$0x3F9D]  }
0x1a: {  	s8 =	sadd.s32 $0xFFFFE003, lr  }
0x1b: {  	s9 =	sadd.s32 $0xFFFFFEF7, lr;
	s5 =	simm.s32 $0xFFFFFFFF;
	p2 =	slt.u32 s8, $0xFFFFF086  }
0x1c: {  	p1 =	slt.u32 s9, $0xF7A;
	s5 =	simm.s32 @!p2 $0x0  }
0x1d: {  	s5 =	simm.s32 @p1 $0x1;
	p0 =	seq.s32 s7, s2  }
0x1e: {  	s7 =	smul.u32 @!p0 $0xF7A, s2;
	p2 =	seq.s32 @!p0 s5, $0x0  }
0x1f: {  	s9 =	smul.u32 $0xF7A, s1;
	s8 =	simm.s32 @!p0 $0x1BF5;
	p2 =	por !p2, p0  }
0x20: {  	[sflag:s8] =	ssyncset.s32 @!p0 $0xFFFFF086;
	s6 =	sadd.s32 @!p0 s3, s7;
	s7 =	simm.s32 @!p0 $0x108  }
0x21: {  	s3 =	sadd.s32 s3, s9;
	s6 =	sadd.s32 @!p0 $0x88, s6;
	s7 =	simm.s32 @p2 $0x1082  }
0x22: {  	[simem:s7], [sflag:s8] =	dma.local @!p0 [hbm:s6], $0xF7A  }
0x23: {  	s9 =	sor.u32 $0xD0000000, s2;
	s6 =	simm.s32 $0x108;
	_ =	swait.ge @!p0 [sflag:s8], $0x0  }
0x24: {  	s3 =	sadd.s32 $0x88, s3;
	s6 =	simm.s32 @!p1 $0x1082;
	[sflag:s4] =	ssyncset.s32 $0xFFFFF086  }
0x25: {  	[simem:s6], [sflag:s4] =	dma.local [hbm:s3], $0xF7A  }
0x26: {  	[smem:$0x3F9D] =	sst s1;
	(tag) =	ssettag s2;
	_ =	strace s9  }
0x27: {  	s1 =	sld [smem:$0x3FAD]  }
0x28: {  	s2 =	sld [smem:$0x3FAE]  }
0x29: {  	s4 =	sld [smem:$0x3FB0]  }
0x2a: {  	p0 =	seq.s32 s5, $0x0;
	s5 =	sld [smem:$0x3FB1]  }
0x2b: {  	s6 =	sld [smem:$0x3FB2]  }
0x2c: {  	s7 =	sld [smem:$0x3FB3]  }
0x2d: {  	s3 =	simm.s32 $0x108;
	s8 =	sld [smem:$0x3FB4]  }
0x2e: {  	s3 =	simm.s32 @!p0 $0x1082;
	s9 =	sld [smem:$0x3FB5]  }
0x2f: {  	lr =	sadd.s32 s0, s3;
	s0 =	sld [smem:$0x3FAC]  }
0x30: {  	s3 =	sld [smem:$0x3FAF]  }
0x31: {  	[smem:$0x3FB8] =	sst s10  }
0x32: {  	s10 =	sld [smem:$0x3FB6];
	_ =	sdelay $0x3  }
0x33: {  	p0 =	seq.s32 s10, $0x1;
	s10 =	sld [smem:$0x3FB8];
	_ =	sdelay $0x3  }
0x34: {  	[smem:$0x3FB8] =	sst s10  }
0x35: {  	s10 =	sld [smem:$0x3FB7];
	_ =	sdelay $0x3  }
0x36: {  	p1 =	seq.s32 s10, $0x1;
	s10 =	sld [smem:$0x3FB8];
	_ =	sdelay $0x3  }
0x37: {  	[smem:$0x3FB8] =	sst s10  }
0x38: {  	s10 =	sld [smem:$0x3FB9]  }
0x39: {  	_ = 	snop;
	(pc) =	sbr.ind lr, $3  }
0x3a: {  	_ = 	snop  }
0x3b: {  	_ = 	snop  }
0x3c: {  	p2 =	seq.s32 s10, $0x1;
	s10 =	sld [smem:$0x3FB8]  }
0x3d: {  	_ =	shalt  }
0x3e: {  	_ =	shalt  }
0x3f: {  	_ =	shalt  }
0x40: {  	_ =	shalt  }
0x41: {  	_ =	shalt  }
0x42: {  	_ =	shalt  }
0x43: {  	_ =	shalt  }
0x44: {  	_ =	shalt  }
0x45: {  	_ =	shalt  }
0x46: {  	_ =	shalt  }
0x47: {  	_ =	shalt  }
0x48: {  	_ =	shalt  }
0x49: {  	_ =	shalt  }
0x4a: {  	_ =	shalt  }
0x4b: {  	_ =	shalt  }
0x4c: {  	_ =	shalt  }
0x4d: {  	_ =	shalt  }
0x4e: {  	_ =	shalt  }
0x4f: {  	_ =	shalt  }
0x50: {  	_ =	shalt  }
0x51: {  	_ =	shalt  }
0x52: {  	_ =	shalt  }
0x53: {  	_ =	shalt  }
0x54: {  	_ =	shalt  }
0x55: {  	_ =	shalt  }
0x56: {  	_ =	shalt  }
0x57: {  	_ =	shalt  }
0x58: {  	_ =	shalt  }
0x59: {  	_ =	shalt  }
0x5a: {  	_ =	shalt  }
0x5b: {  	_ =	shalt  }
0x5c: {  	_ =	shalt  }
0x5d: {  	_ =	shalt  }
0x5e: {  	_ =	shalt  }
0x5f: {  	_ =	shalt  }
0x60: {  	_ =	shalt  }
0x61: {  	_ =	shalt  }
0x62: {  	_ =	shalt  }
0x63: {  	_ =	shalt  }
0x64: {  	_ =	shalt  }
0x65: {  	_ =	shalt  }
0x66: {  	_ =	shalt  }
0x67: {  	_ =	shalt  }
0x68: {  	_ =	shalt  }
0x69: {  	_ =	shalt  }
0x6a: {  	_ =	shalt  }
0x6b: {  	_ =	shalt  }
0x6c: {  	_ =	shalt  }
0x6d: {  	_ =	shalt  }
0x6e: {  	_ =	shalt  }
0x6f: {  	_ =	shalt  }
0x70: {  	_ =	shalt  }
0x71: {  	_ =	shalt  }
0x72: {  	_ =	shalt  }
0x73: {  	_ =	shalt  }
0x74: {  	_ =	shalt  }
0x75: {  	_ =	shalt  }
0x76: {  	_ =	shalt  }
0x77: {  	_ =	shalt  }
0x78: {  	_ =	shalt  }
0x79: {  	_ =	shalt  }
0x7a: {  	_ =	shalt  }
0x7b: {  	_ =	shalt  }
0x7c: {  	_ =	shalt  }
0x7d: {  	_ =	shalt  }
0x7e: {  	_ =	shalt  }
0x7f: {  	_ =	shalt  }
0x80: {  	_ =	shalt  }
0x81: {  	_ =	shalt  }
0x82: {  	_ =	shalt  }
0x83: {  	_ =	shalt  }
0x84: {  	_ =	shalt  }
0x85: {  	_ =	shalt  }
0x86: {  	_ =	shalt  }
0x87: {  	_ =	shalt  }
.Lfunc_end0:
.L_simem_size_0:
called_computation_lowered:
.L_overlay_start_0:
0x88: {  	s2 =	sld [smem:$0x3FD9]  }
0x89: {  	s3 =	sld [smem:$0x3FFE];
	_ =	sdelay $0x1  }
0x8a: {  	s1 =	srdreg.scid  }
0x8b: {  	s0 =	sand.u32 $0x1, s1  }
0x8c: {  	s17 =	sshll.u32 s0, $0xA;
	s2 =	sadd.s32 s3, s2  }
0x8d: {  	s2 =	sadd.s32 s2, s17  }
0x8e: {  	[smem:$0x3FC4] =	sst s2  }
0x8f: {  	_ = 	snop  }
0x90: {  	s2 =	sld [smem:$0x3FC9]  }
0x91: {  	s18 =	sld [smem:$0x3FD0];
	(tm) =	ssettm $0x1  }
0x92: {  	s4 =	sld [smem:$0x3FFB];
	_ =	sdelay $0x3  }
0x93: {  	_ =	strace s4  }
0x94: {  	s4 =	sld [smem:$0x3FFC];
	_ =	sdelay $0x3  }
0x95: {  	_ =	strace s4  }
0x96: {  	s4 =	sld [smem:$0x3FFD];
	_ =	sdelay $0x3  }
0x97: {  	_ =	strace s4  }
0x98: {  	_ =	strace $0x8FFFFFFF  }
0x99: {  	s19 =	sld [smem:$0x3FDB];
	_ =	sdelay $0x1  }
0x9a: {  	s5 =	simm.s32 $_scs_section_size  }
0x9b: {  	s6 =	simm.s32 $_size__tile_overlayer_lowered;
	s7 =	simm.s32 $_tile_overlayer_lowered  }
0x9c: {  	s22 =	simm.s32 $0x1BFF;
	s21 =	sshll.u32 s7, $0x1;
	s4 =	sadd.s32 s5, s19  }
0x9d: {  	s8 =	simm.s32 $0x0;
	s20 =	sshll.u32 s6, $0x1;
	s6 =	sadd.s32 s21, s4  }
0x9e: {  	[timem:s8], [sflag:s22] =	dma.local [hbm:s6], s20  }
0x9f: {  	_ =	swait.ge [sflag:s22], s20  }
0xa0: {  	s5 =	ssub.s32 $0x0, s20;
	[sflag:s22] =	ssyncset.done $0x0  }
0xa1: {  	[sflag:s22] =	ssyncadd.s32 s5;
	_ =	sdelay $0x1  }
0xa2: {  	s23 =	simm.s32 $0x1B8B  }
0xa3: {  	_ =	swait.ge [sflag:s23], $0x1  }
0xa4: {  	[sflag:s23] =	ssyncset.done $0x0  }
0xa5: {  	s25 =	simm.s32 $0x1B8E;
	s24 =	sld [smem:$0x3FFE];
	[sflag:s23] =	ssyncadd.s32 $0xFFFFFFFF  }
0xa6: {  	s26 =	simm.s32 $execute0_lowered;
	[smem:$0x3FD2] =	sst s25  }
0xa7: {  	s6 =	sshll.u32 s26, $0x1;
	_ =	strace $0x80000046;
	[dreg:$0x1] =	wrdreg $0xFFFFFFFF  }
0xa8: {  	s28 =	simm.s32 $_size_execute0_lowered;
	s4 =	sadd.s32 s4, s6;
	[dreg:$0x0] =	wrdreg $0x0  }
0xa9: {  	s6 =	sshll.u32 s28, $0x1;
	[dreg:$0x2] =	wrdreg s4  }
0xaa: {  	[dreg:$0x3] =	wrdreg s6  }
0xab: {  	[dreg:$0x4] =	wrdreg $0xC0  }
0xac: {  	_ =	task [dreg:s8], $0x5FFFF  }
0xad: {  	[dreg:$0x1] =	wrdreg $0xFFFFFFFF  }
0xae: {  	[dreg:$0x0] =	wrdreg $0x60  }
0xaf: {  	[dreg:$0x2] =	wrdreg s2  }
0xb0: {  	[dreg:$0x3] =	wrdreg s18  }
0xb1: {  	[dreg:$0x4] =	wrdreg s24  }
0xb2: {  	[dreg:$0x5] =	wrdreg $0xC4000  }
0xb3: {  	[dreg:$0x6] =	wrdreg $0x9  }
0xb4: {  	_ =	task.clear_ibuf [dreg:s8], $0x7FFFF;
	_ =	strace $0x90000046  }
0xb5: {  	s29 =	simm.s32 $0x9;
	_ =	strace $0x80000048  }
0xb6: {  	_ =	swait.ge [sflag:s29], $0x1  }
0xb7: {  	[sflag:s29] =	ssyncadd.s32 $0xFFFFFFFF  }
0xb8: {  	_ =	strace $0x90000048  }
0xb9: {  	_ =	sfence  }
0xba: {  	s30 =	sld [smem:$0x0];
	_ =	sdelay $0x2  }
0xbb: {  	s31 =	sshll.u32 s1, $0xD;
	s1 =	sshrl.u32 s1, $0x2  }
0xbc: {  	s3 =	sand.u32 $0x4000, s31;
	s1 =	sadd.s32 s1, s30  }
0xbd: {  	s0 =	sor.u32 s3, s0;
	s1 =	sshll.u32 s1, $0x11  }
0xbe: {  	s0 =	sor.u32 s1, s0  }
0xbf: {  	s0 =	sadd.s32 $0x8F2B, s0  }
0xc0: {  	[sflag:s0] =	ssyncadd.remote.s32 $0x1  }
0xc1: {  	_ =	sfence.sel $0xFFFF  }
0xc2: {  	[dreg:$0x0] =	wrdreg $0xFFFFFFFF;
	(pc) =	sbr.abs _section_cstart, $3  }
0xc3: {  	[dreg:$0x1] =	wrdreg $0xFFFFFFFF  }
0xc4: {  	_ =	task.clear_ibuf [dreg:s8], $0x2FFFF;
	_ =	strace $0x9FFFFFFF  }
0xc5: {  	(tm) =	ssettm $0x7FFFFFFF  }
tec
execute0_lowered:
.L_overlay_start_1:
0x0: {  	(tag) =	ssettag $0x1  }
0x1: {  	s1 =	rddreg [dreg:$0x0]  }
0x2: {  	s2 =	rddreg [dreg:$0x1]  }
0x3: {  	s0 =	rddreg [dreg:$0x2]  }
0x4: {  	s3 =	rddreg [dreg:$0x3];
	s4 =	simm.s32 $0x0  }
0x5: {  	s5 =	srdreg.scid;
	s11 =	stileid.u32;
	s29 =	simm.s32 $0x4  }
0x6: {  	s30 =	simm.s32 $0x2;
	[smem:$0x7FF] =	sst s4;
	s5 =	sand.u32 $0x1, s5  }
0x7: {  	s9 =	sshll.u32 s11, $0x1;
	s6 =	sadd.s32 $0x1200, s0;
	s19 =	smul.u32 $0x4E000, s11  }
0x8: {  	s24 =	sadd.s32 $0x138000, s3;
	s26 =	sshll.u32 s11, $0x8;
	s28 =	smul.u32 $0x2700, s11  }
0x9: {  	_ =	strace $0x80000047;
	s7 =	smul.u32 $0x27100, s5;
	s9 =	sor.u32 s5, s9  }
0xa: {  	[dreg:$0xc] =	wrdreg s24;
	s17 =	sshll.u32 s9, $0x4;
	s18 =	ssub.s32 $0x9E3, s9  }
0xb: {  	s9 =	sshrl.u32 s19, $0x2;
	s0 =	sadd.s32 s7, s0;
	s7 =	sadd.s32 s2, s17  }
0xc: {  	p0 =	sne.s32 s11, $0xF;
	s23 =	sadd.s32 s9, s3;
	[dreg:$0x5] =	wrdreg s7  }
0xd: {  	s8 =	ssub.s32 $0x2, s5;
	s12 =	sadd.s32 $0x9C40, s7;
	[dreg:$0xb] =	wrdreg s23  }
0xe: {  	s5 =	sshll.u32 s5, $0x7;
	s20 =	sadd.s32 $0x200, s7;
	[dreg:$0x6] =	wrdreg s12  }
0xf: {  	s10 =	sshrl.u32 s8, $0x1;
	s21 =	sadd.s32 $0x9E40, s7;
	[dreg:$0x7] =	wrdreg s20  }
0x10: {  	s10 =	ssub.s32 s8, s10;
	s22 =	sadd.s32 $0x400, s7;
	[dreg:$0x8] =	wrdreg s21  }
0x11: {  	s7 =	sadd.s32 $0xA040, s7;
	s25 =	sadd.s32 $0x3A00, s0;
	[dreg:$0x9] =	wrdreg s22  }
0x12: {  	s10 =	smax.u32 s10, $0x1;
	s0 =	sor.u32 s5, s26;
	[dreg:$0xa] =	wrdreg s7  }
0x13: {  	s8 =	sshrl.u32 s18, $0x5;
	[dreg:$0xe] =	wrdreg s10;
	s12 =	sadd.s32 $0x51200, s0  }
0x14: {  	s20 =	simm.s32 $0x1;
	[dreg:$0xd] =	wrdreg s25;
	s31 =	sadd.s32 s28, s25  }
0x15: {  	s21 =	simm.s32 $0x80;
	s0 =	simm.s32 $0x0;
	[dreg:$0xf] =	wrdreg s31  }
.LBB2_1:
0x16: {  	s5 =	rddreg [dreg:$0x5]  }
0x17: {  	[tilespmem:s4], [sflag:$0x1] =	stream.linear.gather [hbm4b:s5+s4], $0x80, $0x38;
	[tilespmem:$0x1FC80] =	vst v63  }
0x18: {  	s25 =	rddreg [dreg:$0x6];
	s7 =	simm.s32 $0x200  }
0x19: {  	[tilespmem:s7], [sflag:$0x1] =	stream.linear.gather [hbm4b:s25+s4], $0x80, $0x38;
	[tilespmem:$0x1FC80] =	vst v63  }
0x1a: {  	_ =	swait.ge [sflag:s20], $0x80  }
0x1b: {  	[sflag:s20] =	ssyncset.done $0x0  }
0x1c: {  	[sflag:s20] =	ssyncadd.s32 $0xFFFFFF80  }
0x1d: {  	_ =	swait.ge [sflag:s20], $0x80  }
0x1e: {  	[sflag:s20] =	ssyncset.done $0x0  }
0x1f: {  	s26 =	simm.s32 $0x400;
	[sflag:s20] =	ssyncadd.s32 $0xFFFFFF80  }
0x20: {  	[tilespmem:s26], [sflag:$0x2] =	stream.indirect.gather [hbm4b:s1+s21], $0x80, s4, s21, $0xb8;
	[tilespmem:$0x1FC80] =	vst v63  }
0x21: {  	s31 =	rddreg [dreg:$0x7]  }
0x22: {  	[tilespmem:s21], [sflag:$0x1] =	stream.linear.gather [hbm4b:s31+s4], $0x80, $0x38;
	[tilespmem:$0x1FC80] =	vst v63  }
0x23: {  	s9 =	simm.s32 $0x280;
	s7 =	rddreg [dreg:$0x8]  }
0x24: {  	[tilespmem:s9], [sflag:$0x1] =	stream.linear.gather [hbm4b:s7+s4], $0x80, $0x38;
	[tilespmem:$0x1FC80] =	vst v63  }
0x25: {  	_ =	swait.ge [sflag:s20], $0x80  }
0x26: {  	[sflag:s20] =	ssyncset.done $0x0  }
0x27: {  	[sflag:s20] =	ssyncadd.s32 $0xFFFFFF80  }
0x28: {  	_ =	swait.ge [sflag:s20], $0x80  }
0x29: {  	s10 =	simm.s32 $0x4400;
	s13 =	simm.s32 $0x100;
	[sflag:s20] =	ssyncset.done $0x0  }
0x2a: {  	s16 =	stileid.u32;
	s11 =	rddreg [dreg:$0x9];
	[sflag:s20] =	ssyncadd.s32 $0xFFFFFF80  }
0x2b: {  	[tilespmem:s10], [sflag:$0x2] =	stream.indirect.gather [hbm4b:s1+s21], $0x80, s21, s21, $0xb8;
	[tilespmem:$0x1FC80] =	vst v63  }
0x2c: {  	s15 =	simm.s32 $0x300;
	s5 =	sshll.u32 s16, $0x6;
	s17 =	rddreg [dreg:$0xb]  }
0x2d: {  	[tilespmem:s13], [sflag:$0x1] =	stream.linear.gather [hbm4b:s11+s4], $0x80, $0x38;
	[tilespmem:$0x1FC80] =	vst v63  }
0x2e: {  	s19 =	sor.u32 $0x1C04, s5;
	s14 =	rddreg [dreg:$0xa];
	s23 =	sshrl.u32 s17, $0x3  }
0x2f: {  	[tilespmem:s15], [sflag:$0x1] =	stream.linear.gather [hbm4b:s14+s4], $0x80, $0x38;
	[tilespmem:$0x1FC80] =	vst v63  }
0x30: {  	[spmem:s23], [sflag:s19] =	dma.local [hbm:s6], $0x2700  }
0x31: {  	_ =	swait.ge [sflag:s29], $0x2700  }
0x32: {  	[sflag:s29] =	ssyncset.done $0x0;
	s5 =	rddreg [dreg:$0xc]  }
0x33: {  	s22 =	simm.s32 @!p0 $0x4;
	[sflag:s29] =	ssyncadd.s32 $0xFFFFD900;
	s24 =	sshrl.u32 @!p0 s5, $0x3  }
0x34: {  	[spmem:s24], [sflag:s19] =	dma.local @!p0 [hbm:s6], $0x100  }
0x35: {  	p3 =	por $0x1, $0x1;
	s16 =	smulhi.u32 $0xAAAAAAAB, s4;
	_ =	swait.ge @!p0 [sflag:s22], $0x100  }
0x36: {  	p1 =	sne.s32 s8, $0x1;
	s28 =	simm.s32 $0x4400;
	[sflag:s22] =	ssyncset.done @!p0 $0x0  }
0x37: {  	p2 =	sle.u32 s8, $0x2;
	s16 =	sshrl.u32 s16, $0x1;
	[sflag:s22] =	ssyncadd.s32 @!p0 $0xFFFFFF00  }
0x38: {  	s25 =	simm.s32 $0x0;
	s9 =	simm.s32 @!p3 $0x3;
	[bflag:$0x0] =	sbarrier.arrive $0xFFFF  }
0x39: {  	s18 =	smul.u32 $0xFFFD0000, s16;
	s26 =	simm.s32 $0x1;
	_ =	swait.ge @!p3 [sflag:s9], $0x4000  }
0x3a: {  	s31 =	sand.u32 $0x180, s25;
	s11 =	smulhi.u32 $0xAAAAAAAB, s30;
	[sflag:s9] =	ssyncset.done @!p3 $0x0  }
0x3b: {  	s17 =	simm.s32 @!p2 $0x80;
	s13 =	simm.s32 @!p2 $0x1;
	[sflag:s9] =	ssyncadd.s32 @!p3 $0xFFFFC000  }
0x3c: {  	s10 =	simm.s32 $0x3;
	s11 =	sshrl.u32 s11, $0x1;
	_ =	swait.ge @!p2 [sflag:s13], $0x80  }
0x3d: {  	s14 =	simm.s32 @!p2 $0x100;
	s15 =	smul.u32 $0xFFFD0000, s11;
	[sflag:s13] =	ssyncset.done @!p2 $0x0  }
0x3e: {  	s14 =	sand.u32 @!p2 $0x180, s14;
	s11 =	simm.s32 $0xC400;
	[sflag:s13] =	ssyncadd.s32 @!p2 $0xFFFFFF80  }
0x3f: {  	s15 =	sshra.s32 s15, $0x2;
	s5 =	simm.s32 $0x180;
	_ =	swait.ge @!p2 [sflag:s13], $0x80  }
0x40: {  	s15 =	sadd.s32 $0x8400, s15;
	s9 =	simm.s32 $0xFFFFFFFF;
	[sflag:s13] =	ssyncset.done @!p2 $0x0  }
0x41: {  	[sflag:s13] =	ssyncadd.s32 @!p2 $0xFFFFFF80;
	s13 =	sshra.s32 s18, $0x2;
	s18 =	smov.u32 s12  }
0x42: {  	[tilespmem:s15], [sflag:$0x2] =	stream.indirect.gather @!p2 [hbm4b:s1+s17], $0x80, s14, s17, $0xb8;
	[tilespmem:$0x1FC80] =	vst v63  }
0x43: {  	p2 =	sle.u32 s8, $0x3;
	s13 =	sadd.s32 $0x400, s13;
	_ =	swait.ge [sflag:s30], $0x4000  }
.Ltmp0:
0x44: {  	s15 =	sor.u32 $0x200, s31;
	[sflag:s30] =	ssyncset.done $0x0;
	(pc) =	sbr.rel @!p1 .LBB2_3-.Ltmp0, $4  }
0x45: {  	s14 =	sand.u32 @!p2 $0x180, s5;
	s16 =	sadd.s32 @!p2 $0xFFFB1E00, s12;
	[sflag:s30] =	ssyncadd.s32 $0xFFFFC000  }
0x46: {  	[spmem:s3] =	stream.indirect.scatter.add.f32 [tilespmem:s13], [sflag:$0x3], $0x80, s15, s21, $0xb8;
	[tilespmem:$0x1FC80] =	vst v63  }
0x47: {  	s17 =	simm.s32 @!p2 $0x0;
	s13 =	sshrl.u32 @!p2 s16, $0x3;
	s16 =	sshrl.u32 @!p2 s12, $0x3  }
0x48: {  	s15 =	sor.u32 @!p2 $0x200, s14;
	s25 =	sadd.s32 @!p2 s2, s13;
	s16 =	sadd.s32 @!p2 s2, s16  }
.LBB2_2:
0x49: {  	s5 =	sadd.s32 $0x80, s5;
	s18 =	sadd.s32 $0x1000, s18;
	s7 =	smov.u32 s26  }
0x4a: {  	s26 =	sadd.s32 $0x1, s26;
	s13 =	smov.u32 s28;
	s31 =	smov.u32 s11  }
0x4b: {  	[tilespmem:s14], [sflag:$0x1] =	stream.linear.gather @!p2 [hbm4b:s25+s17], $0x80, $0x38;
	[tilespmem:$0x1FC80] =	vst v63  }
0x4c: {  	p1 =	sne.s32 s26, s8  }
0x4d: {  	[tilespmem:s15], [sflag:$0x1] =	stream.linear.gather @!p2 [hbm4b:s16+s17], $0x80, $0x38;
	[tilespmem:$0x1FC80] =	vst v63  }
0x4e: {  	p3 =	seq.s32 s9, $0x0  }
0x4f: {  	s28 =	sadd.s32 $0x4000, s28;
	s14 =	simm.s32 @!p3 $0x3  }
0x50: {  	s9 =	sadd.s32 $0xFFFFFFFF, s9;
	s15 =	sadd.s32 $0x2, s7;
	_ =	swait.ge @!p3 [sflag:s14], $0x4000  }
0x51: {  	s17 =	smulhi.u32 $0xAAAAAAAB, s7;
	p2 =	sge.u32 s15, s8;
	[sflag:s14] =	ssyncset.done @!p3 $0x0  }
0x52: {  	s15 =	smulhi.u32 $0xAAAAAAAB, s10;
	[sflag:s14] =	ssyncadd.s32 @!p3 $0xFFFFC000;
	s14 =	simm.s32 @!p2 $0x1  }
0x53: {  	s10 =	sadd.s32 $0x1, s10;
	s16 =	sadd.s32 @!p2 $0xFFFFFF80, s5;
	_ =	swait.ge @!p2 [sflag:s14], $0x80  }
0x54: {  	s15 =	sshrl.u32 s15, $0x1;
	s16 =	sand.u32 @!p2 $0x180, s16;
	[sflag:s14] =	ssyncset.done @!p2 $0x0  }
0x55: {  	s11 =	sadd.s32 $0x4000, s11;
	s15 =	smul.u32 $0xFFFD0000, s15;
	[sflag:s14] =	ssyncadd.s32 @!p2 $0xFFFFFF80  }
0x56: {  	s7 =	sadd.s32 $0x3, s7;
	s25 =	simm.s32 @!p2 $0x80;
	_ =	swait.ge @!p2 [sflag:s14], $0x80  }
0x57: {  	s17 =	sshrl.u32 s17, $0x1;
	s15 =	sshra.s32 s15, $0x2;
	[sflag:s14] =	ssyncset.done @!p2 $0x0  }
0x58: {  	s15 =	sadd.s32 s15, s31;
	[sflag:s14] =	ssyncadd.s32 @!p2 $0xFFFFFF80;
	s14 =	smul.u32 $0xFFFD0000, s17  }
0x59: {  	[tilespmem:s15], [sflag:$0x2] =	stream.indirect.gather @!p2 [hbm4b:s1+s25], $0x80, s16, s25, $0xb8;
	[tilespmem:$0x1FC80] =	vst v63  }
0x5a: {  	s15 =	sadd.s32 $0xFFFFFE80, s5;
	p2 =	sge.u32 s7, s8;
	_ =	swait.ge [sflag:s30], $0x4000  }
0x5b: {  	s15 =	sand.u32 $0x180, s15;
	s7 =	sshra.s32 s14, $0x2;
	[sflag:s30] =	ssyncset.done $0x0  }
.Ltmp1:
0x5c: {  	s14 =	sand.u32 @!p2 $0x180, s5;
	[sflag:s30] =	ssyncadd.s32 $0xFFFFC000;
	(pc) =	sbr.rel @p1 .LBB2_2-.Ltmp1, $4  }
0x5d: {  	s7 =	sadd.s32 s7, s13;
	s13 =	sor.u32 $0x200, s15;
	s15 =	sadd.s32 @!p2 $0xFFFB1E00, s18  }
0x5e: {  	s31 =	sshrl.u32 @!p2 s18, $0x3;
	s16 =	sshrl.u32 @!p2 s15, $0x3;
	s15 =	sor.u32 @!p2 $0x200, s14  }
0x5f: {  	s17 =	simm.s32 @!p2 $0x0;
	s25 =	sadd.s32 @!p2 s2, s16;
	s16 =	sadd.s32 @!p2 s2, s31  }
0x60: {  	[spmem:s3] =	stream.indirect.scatter.add.f32 [tilespmem:s7], [sflag:$0x3], $0x80, s13, s21, $0xb8;
	[tilespmem:$0x1FC80] =	vst v63  }
.LBB2_3:
0x61: {  	[tilespmem:s14], [sflag:$0x1] =	stream.linear.gather @!p2 [hbm4b:s25+s17], $0x80, $0x38;
	[tilespmem:$0x1FC80] =	vst v63  }
0x62: {  	s5 =	simm.s32 $0x3  }
0x63: {  	[tilespmem:s15], [sflag:$0x1] =	stream.linear.gather @!p2 [hbm4b:s16+s17], $0x80, $0x38;
	[tilespmem:$0x1FC80] =	vst v63  }
0x64: {  	_ =	swait.ge [sflag:s5], $0x4000  }
0x65: {  	[sflag:s5] =	ssyncset.done $0x0  }
0x66: {  	[sflag:s5] =	ssyncadd.s32 $0xFFFFC000  }
0x67: {  	[bflag:$0x0] =	sbarrier.arrive $0xFFFF  }
0x68: {  	s28 =	rddreg [dreg:$0xf]  }
0x69: {  	[hbm:s28], [sflag:s19] =	dma.local [spmem:s23], $0x2700  }
0x6a: {  	_ =	swait.ge [sflag:s29], $0x2700  }
0x6b: {  	[sflag:s29] =	ssyncset.done $0x0;
	s5 =	rddreg [dreg:$0xd]  }
0x6c: {  	[sflag:s29] =	ssyncadd.s32 $0xFFFFD900;
	s5 =	sadd.s32 @!p0 $0x27000, s5  }
0x6d: {  	[hbm:s5], [sflag:s19] =	dma.local @!p0 [spmem:s24], $0x100  }
0x6e: {  	_ =	swait.ge @!p0 [sflag:s22], $0x100  }
0x6f: {  	s0 =	sadd.s32 $0x1, s0;
	s31 =	rddreg [dreg:$0xe]  }
0x70: {  	p1 =	sne.s32 s0, s31  }
.Ltmp2:
0x71: {  	_ = 	snop;
	(pc) =	sbr.rel @p1 .LBB2_1-.Ltmp2, $3  }
0x72: {  	_ =	sdelay $0x1  }
0x73: {  	[sflag:s22] =	ssyncset.done @!p0 $0x0  }
0x74: {  	[sflag:s22] =	ssyncadd.s32 @!p0 $0xFFFFFF00  }
0x75: {  	_ =	sfence.sel $0x180000  }
0x76: {  	[bflag:$0x0] =	sbarrier.arrive $0xFFFF  }
0x77: {  	_ =	strace $0x90000047  }
0x78: {  	s0 =	stileid.u32;
	[bflag:$0x2] =	sbarrier.arrive $0xFFFF  }
0x79: {  	p0 =	sne.s32 s0, $0x0;
	s0 =	rddreg [dreg:$0x4]  }
0x7a: {  	s0 =	sadd.s32 @!p0 $0x100000, s0  }
0x7b: {  	[sflag:s0] =	ssyncadd.tile.s32 @!p0 $0x1;
	_ =	shalt  }
.Lfunc_end2:
_tile_overlayer_lowered:
.L_overlay_start_2:
0x7c: {  	(tag) =	ssettag $0x2  }
0x7d: {  	s0 =	rddreg [dreg:$0x0];
	s2 =	stileid.u32  }
0x7e: {  	s1 =	rddreg [dreg:$0x1];
	p0 =	sne.s32 s2, $0x0  }
0x7f: {  	s3 =	rddreg [dreg:$0x2];
	[bflag:$0x3] =	sbarrier.arrive $0xFFFF;
	s2 =	simm.s32 @!p0 $0x1C04  }
0x80: {  	[timem:s3], [sflag:s2] =	dma.local @!p0 [hbm:s0], s1  }
0x81: {  	s0 =	simm.s32 @!p0 $0x4  }
0x82: {  	_ =	swait.ge @!p0 [sflag:s0], s1  }
0x83: {  	s1 =	ssub.s32 @!p0 $0x0, s1;
	[sflag:s0] =	ssyncset.done @!p0 $0x0  }
0x84: {  	[sflag:s0] =	ssyncadd.s32 @!p0 s1  }
0x85: {  	[bflag:$0x3] =	sbarrier.arrive $0xFFFF  }
0x86: {  	_ =	shalt  }

</sc_bundles>
